<compile_context>
chip_gen: v7x
topology: tpu7x:2x2x1
jax: 0.10.2.dev20260603
libtpu: 0.0.44.dev20260713+nightly
codegen_flags: <defaults>
</compile_context>

<pallas_src>
import jax
import jax.numpy as jnp
from jax import lax
from jax.experimental import pallas as pl
from jax.experimental.pallas import tpu as pltpu
from jax.experimental.pallas import tpu_sc as plsc

_D = 10
_ALPHA = 0.2
_ZPAD = 4000

_NC = 2
_NS = 16
_NW = _NC * _NS
_CH = 128
_GPC = 4
_CHUNK = _CH * _GPC

_G = 16
_GD = _G * _D
_NG = 25
_BR = _GD * _NG


def _matmul_body(nblocks, x_ref, w_ref, o_ref):
    val = lax.dot_general(
        x_ref[...], w_ref[...], (((1,), (0,)), ((), ())),
        preferred_element_type=jnp.float32)
    o_ref[...] = jnp.where(pl.program_id(0) < nblocks, val, 0.0)


def _matmul_padded(h, W):
    import functools
    n, f = h.shape
    block = 1000
    nblocks = n // block
    total = nblocks + _ZPAD // block
    return pl.pallas_call(
        functools.partial(_matmul_body, nblocks),
        grid=(total,),
        in_specs=[pl.BlockSpec((block, f),
                               lambda i, nb=nblocks - 1: (jnp.minimum(i, nb), 0)),
                  pl.BlockSpec((f, W.shape[1]), lambda i: (0, 0))],
        out_specs=pl.BlockSpec((block, W.shape[1]), lambda i: (i, 0)),
        out_shape=jax.ShapeDtypeStruct((n + _ZPAD, W.shape[1]), jnp.float32),
    )(h, W)


def _gather_body(table, gidx, out, idx_v, rows_v, sem):
    wid = lax.axis_index("s") * _NC + lax.axis_index("c")
    rows_per_worker = out.shape[0] // _NW
    nchunks = rows_per_worker // _CHUNK
    base0 = wid * rows_per_worker

    def body(c, carry):
        base = base0 + c * _CHUNK
        pltpu.sync_copy(gidx.at[pl.ds(base, _CHUNK)], idx_v)
        pltpu.async_copy(table.at[idx_v], rows_v, sem).wait()
        pltpu.sync_copy(rows_v, out.at[pl.ds(base, _CHUNK)])
        return carry

    lax.fori_loop(0, nchunks, body, 0)


def _sc_gather(table, gidx_flat, npad):
    f = table.shape[1]
    mesh = plsc.VectorSubcoreMesh(core_axis_name="c", subcore_axis_name="s")
    return pl.kernel(
        _gather_body,
        mesh=mesh,
        out_type=jax.ShapeDtypeStruct((npad, f), jnp.float32),
        scratch_types=[pltpu.VMEM((_CHUNK,), jnp.int32),
                       pltpu.VMEM((_CHUNK, f), jnp.float32),
                       pltpu.SemaphoreType.DMA],
    )(table, gidx_flat)


def _attn_body(x_ref, o_ref):
    r = lax.broadcasted_iota(jnp.int32, (_GD, _GD), 0) // _D
    c = lax.broadcasted_iota(jnp.int32, (_GD, _GD), 1) // _D
    m = r == c
    for g in range(_NG):
        xg = x_ref[pl.ds(g * _GD, _GD), :]
        s = lax.dot_general(xg, xg, (((1,), (1,)), ((), ())),
                            preferred_element_type=jnp.float32)
        l = jnp.where(s >= 0, s, _ALPHA * s)
        lm = jnp.where(m, l, -jnp.inf)
        cmax = jnp.max(lm, axis=0, keepdims=True)
        e = jnp.where(m, jnp.exp(l - cmax), 0.0)
        denom = jnp.sum(e, axis=0, keepdims=True)
        att = e / denom
        o = lax.dot_general(att, xg, (((1,), (0,)), ((), ())),
                            preferred_element_type=jnp.float32)
        fin = jnp.where(o > 0, o, jnp.exp(jnp.minimum(o, 0.0)) - 1.0)
        o_ref[pl.ds(g * _G, _G), :, :] = fin.reshape(_G, _D, fin.shape[1])


def _attention(hwd, n):
    f = hwd.shape[1]
    grid = (n * _D) // _BR
    bn = _BR // _D
    return pl.pallas_call(
        _attn_body,
        grid=(grid,),
        in_specs=[pl.BlockSpec((_BR, f), lambda i: (i, 0))],
        out_specs=pl.BlockSpec((bn, _D, f), lambda i: (i, 0, 0)),
        out_shape=jax.ShapeDtypeStruct((n, _D, f), jnp.float32),
    )(hwd)


def kernel(h, edge_feats, edge_indices, adj, W, W_edge):
    n, f = h.shape
    e = edge_indices.shape[1]

    src = edge_indices[0]
    dst = edge_indices[1]
    src_s, dst_s = lax.sort((src, dst), num_keys=1, is_stable=True)
    iota = jnp.arange(e, dtype=jnp.int32)
    is_first = jnp.concatenate(
        [jnp.ones((1,), bool), src_s[1:] != src_s[:-1]])
    first = lax.cummax(jnp.where(is_first, iota, 0), axis=0)
    pos = iota - first
    is_last = jnp.concatenate(
        [src_s[1:] != src_s[:-1], jnp.ones((1,), bool)])
    valid = (pos < _D - 1) | is_last
    posc = jnp.minimum(pos, _D - 1)
    shard = _NW * _CHUNK
    npad = ((n * _D + shard - 1) // shard) * shard
    total = max(npad, n * _D + e)
    sent = n + (jnp.arange(total, dtype=jnp.int32) % _ZPAD)
    tgt = jnp.where(valid, src_s * _D + posc, n * _D + iota)
    vali = jnp.where(valid, dst_s.astype(jnp.int32), n)
    flat = sent.at[tgt].set(vali, unique_indices=True)
    gidx_flat = jnp.concatenate(
        [flat[:n * _D],
         n + (jnp.arange(npad - n * _D, dtype=jnp.int32) % _ZPAD)])

    table = _matmul_padded(h, W)
    hwd = _sc_gather(table, gidx_flat, npad)
    return _attention(hwd, n)

# --- scband reference (transcript-rebuilt; emitter-appended) ---
"""Pipeline reference for scband-full-neighborhood-mult-graph-layer-61418032333444 (READ-ONLY COPY).

The authoritative reference and input builder live on the scoring server;
editing this copy changes nothing except your own understanding.
"""

import jax, jax.numpy as jnp
import numpy as np

N = 50000
E = 50000
IN_FEATS = 128
OUT_FEATS = 128
EDGE_DIM = 16
D = 10
ALPHA = 0.2


def _xavier_uniform(key, shape, gain):
    fan_in, fan_out = shape[0], shape[1]
    limit = gain * np.sqrt(6.0 / (fan_in + fan_out))
    return jax.random.uniform(key, shape, dtype=jnp.float32, minval=-limit, maxval=limit)


def setup_inputs(seed: int = 0) -> dict:
    key = jax.random.key(seed)
    k1, k2, k3, k4, k5 = jax.random.split(key, 5)
    h = jax.random.normal(k1, (N, IN_FEATS), dtype=jnp.float32)
    edge_feats = jax.random.normal(k2, (E, EDGE_DIM), dtype=jnp.float32)
    edge_indices = jax.random.randint(k3, (2, E), 0, N, dtype=jnp.int32)
    adj = jnp.zeros((1, 1), dtype=jnp.float32)  # unused by the module's attention
    W = _xavier_uniform(k4, (IN_FEATS, OUT_FEATS), 1.414)
    W_edge = _xavier_uniform(k5, (EDGE_DIM, EDGE_DIM), 1.414)
    return {"h": h, "edge_feats": edge_feats, "edge_indices": edge_indices, "adj": adj, "W": W, "W_edge": W_edge}


def _transform_input(h, edge_indices):
    # Vectorized version of the original python loop: for each edge i,
    # input[src[i], node_idx[src[i]], :] = h[dst[i]]; node_idx[src[i]] += 1
    src = edge_indices[0]
    dst = edge_indices[1]
    order = jnp.argsort(src)  # jnp.argsort is stable, preserving original edge order within a src group
    src_s = src[order]
    dst_s = dst[order]
    first = jnp.searchsorted(src_s, src_s, side='left')
    pos = jnp.arange(src_s.shape[0], dtype=first.dtype) - first
    pos = jnp.minimum(pos, D - 1)  # original torch code assumes degree <= D
    inp = jnp.zeros((h.shape[0], D, h.shape[1]), dtype=h.dtype)
    inp = inp.at[src_s, pos].set(h[dst_s])
    return inp


def reference(h, edge_feats, edge_indices, adj, W, W_edge):
    We = jnp.matmul(edge_feats, W_edge)  # computed but unused downstream, as in the original forward
    hp = _transform_input(h, edge_indices)  # [N, D, IN_FEATS]
    HW_q = jnp.matmul(hp, W)
    HW_k = jnp.matmul(hp, W)
    HW_v = jnp.matmul(hp, W)
    att_scores = jnp.matmul(HW_q, jnp.swapaxes(HW_k, -1, -2))  # [N, D, D]
    attention = jax.nn.leaky_relu(att_scores, negative_slope=ALPHA)
    attention = jax.nn.softmax(attention, axis=1)
    # F.dropout with p=0.0 is the identity, even in training mode
    h_prime = jnp.matmul(attention, HW_v)  # [N, D, OUT_FEATS]
    return jax.nn.elu(h_prime)  # final=False

if __name__ == "__main__":
    import jax
    _d = setup_inputs()
    print(jax.jit(kernel)(*tuple(_d.values())))

</pallas_src>

<mosaic_0001>
#map = affine_map<(d0, d1) -> (0, 0)>
#map1 = affine_map<(d0, d1) -> (0)>
module attributes {stable_mosaic.version = 14 : i64} {
  func.func @_gather_body(%arg0: i32, %arg1: i32, %arg2: memref<54000x128xf32, #tpu.memory_space<hbm>>, %arg3: memref<507904xi32, #tpu.memory_space<hbm>>, %arg4: memref<507904x128xf32, #tpu.memory_space<hbm>>, %arg5: memref<512xi32, #tpu.memory_space<vmem>>, %arg6: memref<512x128xf32, #tpu.memory_space<vmem>>, %arg7: memref<!tpu.dma_semaphore, #tpu.memory_space<semaphore_mem>>) attributes {dimension_semantics = [#tpu.dimension_semantics<core_parallel>, #tpu.dimension_semantics<subcore_parallel>], iteration_bounds = array<i64: 2, 16>, scalar_prefetch = 0 : i64, scratch_operands = 3 : i64, tpu.core_type = #tpu.core_type<sc_vector_subcore>, window_params = [{transform_indices = #map}, {transform_indices = #map1}, {transform_indices = #map}]} {
    %mul3A = arith.constant 2 : i32
    %mul3A_0 = arith.muli %arg1, %mul3A : i32
    %add3A = arith.addi %mul3A_0, %arg0 : i32
    %mul3A_1 = arith.constant 15872 : i32
    %mul3A_2 = arith.muli %add3A, %mul3A_1 : i32
    %scan3A = arith.constant 0 : i32
    %scan3A_3 = arith.constant 0 : i32
    %scan3A_4 = arith.constant 31 : i32
    %scan3A_5 = arith.addi %scan3A_3, %scan3A_4 : i32
    %scan3A_6 = arith.constant 1 : i32
    scf.for %scan3A_8 = %scan3A_3 to %scan3A_5 step %scan3A_6  : i32 {
      %mul3A_9 = arith.constant 512 : i32
      %mul3A_10 = arith.muli %scan3A_8, %mul3A_9 : i32
      %add3A_11 = arith.addi %mul3A_2, %mul3A_10 : i32
      "tpu.region"() ({
        %run_scoped3A = tpu.sem_alloc : memref<!tpu.dma_semaphore, #tpu.memory_space<semaphore_mem>>
        %dma_start3A_16 = tpu.memref_slice %arg3[%add3A_11] : memref<507904xi32, #tpu.memory_space<hbm>> -> memref<512xi32, #tpu.memory_space<hbm>>
        %dma_start3A_17 = tpu.memref_slice %arg3[%add3A_11] : memref<507904xi32, #tpu.memory_space<hbm>> -> memref<512xi32, #tpu.memory_space<hbm>>
        tpu.enqueue_dma source(%dma_start3A_17 : memref<512xi32, #tpu.memory_space<hbm>>) target(%arg5 : memref<512xi32, #tpu.memory_space<vmem>>) target_semaphore(%run_scoped3A : memref<!tpu.dma_semaphore, #tpu.memory_space<semaphore_mem>>)
        %dma_wait3A_18 = tpu.memref_slice %arg3[%add3A_11] : memref<507904xi32, #tpu.memory_space<hbm>> -> memref<512xi32, #tpu.memory_space<hbm>>
        %dma_wait3A_19 = tpu.memref_slice %arg3[%add3A_11] : memref<507904xi32, #tpu.memory_space<hbm>> -> memref<512xi32, #tpu.memory_space<hbm>>
        tpu.wait_dma2 semaphore(%run_scoped3A : memref<!tpu.dma_semaphore, #tpu.memory_space<semaphore_mem>>) src(%dma_wait3A_19 : memref<512xi32, #tpu.memory_space<hbm>>) dst(%arg5 : memref<512xi32, #tpu.memory_space<vmem>>)
        tpu.yield
      }) : () -> ()
      %dma_start3A = arith.constant 0 : i32
      %dma_start3A_12 = arith.constant 0 : i32
      %dma_start3A_13 = tpu.memref_slice %arg2[%dma_start3A, %dma_start3A_12] : memref<54000x128xf32, #tpu.memory_space<hbm>> -> memref<54000x128xf32, #tpu.memory_space<hbm>>
      tpu.enqueue_indirect_dma source(%dma_start3A_13 : memref<54000x128xf32, #tpu.memory_space<hbm>>) target(%arg6 : memref<512x128xf32, #tpu.memory_space<vmem>>) offsets(%arg5 : memref<512xi32, #tpu.memory_space<vmem>>) semaphore(%arg7 : memref<!tpu.dma_semaphore, #tpu.memory_space<semaphore_mem>>)
      %dma_wait3A = arith.constant 0 : i32
      %dma_wait3A_14 = arith.constant 0 : i32
      %dma_wait3A_15 = tpu.memref_slice %arg2[%dma_wait3A, %dma_wait3A_14] : memref<54000x128xf32, #tpu.memory_space<hbm>> -> memref<54000x128xf32, #tpu.memory_space<hbm>>
      tpu.wait_indirect_dma semaphore(%arg7 : memref<!tpu.dma_semaphore, #tpu.memory_space<semaphore_mem>>) src(%dma_wait3A_15 : memref<54000x128xf32, #tpu.memory_space<hbm>>) dst(%arg6 : memref<512x128xf32, #tpu.memory_space<vmem>>)
      "tpu.region"() ({
        %run_scoped3A = tpu.sem_alloc : memref<!tpu.dma_semaphore, #tpu.memory_space<semaphore_mem>>
        %dma_start3A_16 = arith.constant 0 : i32
        %dma_start3A_17 = tpu.memref_slice %arg4[%add3A_11, %dma_start3A_16] : memref<507904x128xf32, #tpu.memory_space<hbm>> -> memref<512x128xf32, #tpu.memory_space<hbm>>
        %dma_start3A_18 = arith.constant 0 : i32
        %dma_start3A_19 = tpu.memref_slice %arg4[%add3A_11, %dma_start3A_18] : memref<507904x128xf32, #tpu.memory_space<hbm>> -> memref<512x128xf32, #tpu.memory_space<hbm>>
        tpu.enqueue_dma source(%arg6 : memref<512x128xf32, #tpu.memory_space<vmem>>) target(%dma_start3A_19 : memref<512x128xf32, #tpu.memory_space<hbm>>) target_semaphore(%run_scoped3A : memref<!tpu.dma_semaphore, #tpu.memory_space<semaphore_mem>>)
        %dma_wait3A_20 = arith.constant 0 : i32
        %dma_wait3A_21 = tpu.memref_slice %arg4[%add3A_11, %dma_wait3A_20] : memref<507904x128xf32, #tpu.memory_space<hbm>> -> memref<512x128xf32, #tpu.memory_space<hbm>>
        %dma_wait3A_22 = arith.constant 0 : i32
        %dma_wait3A_23 = tpu.memref_slice %arg4[%add3A_11, %dma_wait3A_22] : memref<507904x128xf32, #tpu.memory_space<hbm>> -> memref<512x128xf32, #tpu.memory_space<hbm>>
        tpu.wait_dma2 semaphore(%run_scoped3A : memref<!tpu.dma_semaphore, #tpu.memory_space<semaphore_mem>>) src(%arg6 : memref<512x128xf32, #tpu.memory_space<vmem>>) dst(%dma_wait3A_23 : memref<512x128xf32, #tpu.memory_space<hbm>>)
        tpu.yield
      }) : () -> ()
    }
    %scan3A_7 = arith.constant 31 : i32
    return
  }
}

module attributes {stable_mosaic.version = 14 : i64} {
  func.func @_matmul_body(%arg0: i32, %arg1: memref<1000x128xf32, #tpu.memory_space<vmem>>, %arg2: memref<128x128xf32, #tpu.memory_space<vmem>>, %arg3: memref<1000x128xf32, #tpu.memory_space<vmem>>) attributes {dimension_semantics = [#tpu.dimension_semantics<arbitrary>], iteration_bounds = array<i64: 54>, scalar_prefetch = 0 : i64, scratch_operands = 0 : i64, tpu.core_type = #tpu.core_type<tc>, window_params = [{transform_indices = @transform_0, window_bounds = array<i64: 1000, 128>}, {pipeline_mode = #tpu.pipeline_mode<synchronous>, transform_indices = @transform_1, window_bounds = array<i64: 128, 128>}, {transform_indices = @transform_2, window_bounds = array<i64: 1000, 128>}]} {
    %get3A = arith.constant 0 : index
    %get3A_0 = arith.constant 0 : index
    %get3A_1 = vector.load %arg1[%get3A, %get3A_0] : memref<1000x128xf32, #tpu.memory_space<vmem>>, vector<1000x128xf32>
    %get3A_2 = arith.constant 0 : index
    %get3A_3 = arith.constant 0 : index
    %get3A_4 = vector.load %arg2[%get3A_2, %get3A_3] : memref<128x128xf32, #tpu.memory_space<vmem>>, vector<128x128xf32>
    %dot_general3A = arith.constant dense<0.000000e+00> : vector<1000x128xf32>
    %dot_general3A_5 = tpu.matmul %get3A_1, %get3A_4, %dot_general3A {dimension_numbers = #tpu.dot_dimension_numbers<[1], [0], [0], [1], [0, 0, 1, 1], [], []>, transpose_lhs_hint = false} : vector<1000x128xf32>, vector<128x128xf32>, vector<1000x128xf32> -> vector<1000x128xf32>
    %lt3A = arith.constant 50 : i32
    %lt3A_6 = arith.cmpi slt, %arg0, %lt3A : i32
    %jit3A = arith.constant 0.000000e+00 : f32
    %broadcast_in_dim3A = vector.broadcast %jit3A : f32 to vector<1000x128xf32>
    %select_n3A = arith.select %lt3A_6, %dot_general3A_5, %broadcast_in_dim3A : vector<1000x128xf32>
    %swap3A = arith.constant 0 : index
    %swap3A_7 = arith.constant 0 : index
    %swap3A_8 = vector.load %arg3[%swap3A, %swap3A_7] : memref<1000x128xf32, #tpu.memory_space<vmem>>, vector<1000x128xf32>
    tpu.vector_store %arg3[%swap3A, %swap3A_7], %select_n3A {strides = array<i32>} : memref<1000x128xf32, #tpu.memory_space<vmem>>, vector<1000x128xf32>,
    return
  }
  func.func @transform_0(%arg0: i32) -> (i32, i32) {
    %min3A = arith.constant 49 : i32
    %min3A_0 = arith.minsi %arg0, %min3A : i32
    %c0_i32 = arith.constant 0 : i32
    %c0_i32_1 = arith.constant 0 : i32
    return %min3A_0, %c0_i32 : i32, i32
  }
  func.func @transform_1(%arg0: i32) -> (i32, i32) {
    %c0_i32 = arith.constant 0 : i32
    %c0_i32_0 = arith.constant 0 : i32
    %c0_i32_1 = arith.constant 0 : i32
    return %c0_i32, %c0_i32_0 : i32, i32
  }
  func.func @transform_2(%arg0: i32) -> (i32, i32) {
    %c0_i32 = arith.constant 0 : i32
    %c0_i32_0 = arith.constant 0 : i32
    return %arg0, %c0_i32 : i32, i32
  }
}

module attributes {stable_mosaic.version = 14 : i64} {
  func.func @_attn_body(%arg0: i32, %arg1: memref<4000x128xf32, #tpu.memory_space<vmem>>, %arg2: memref<400x10x128xf32, #tpu.memory_space<vmem>>) attributes {dimension_semantics = [#tpu.dimension_semantics<arbitrary>], iteration_bounds = array<i64: 125>, scalar_prefetch = 0 : i64, scratch_operands = 0 : i64, tpu.core_type = #tpu.core_type<tc>, window_params = [{transform_indices = @transform_0, window_bounds = array<i64: 4000, 128>}, {transform_indices = @transform_1, window_bounds = array<i64: 400, 10, 128>}]} {
    %iota3A = tpu.iota {dimensions = array<i32: 0>} : vector<160x160xi32>
    %jit3A = arith.constant 10 : i32
    %div3A = vector.broadcast %jit3A : i32 to vector<160x160xi32>
    %div3A_0 = arith.divsi %iota3A, %div3A : vector<160x160xi32>
    %sign3A = arith.constant 0 : i32
    %sign3A_1 = vector.broadcast %sign3A : i32 to vector<160x160xi32>
    %sign3A_2 = arith.cmpi sgt, %iota3A, %sign3A_1 : vector<160x160xi32>
    %sign3A_3 = arith.extui %sign3A_2 : vector<160x160xi1> to vector<160x160xi32>
    %sign3A_4 = arith.constant 0 : i32
    %sign3A_5 = vector.broadcast %sign3A_4 : i32 to vector<160x160xi32>
    %sign3A_6 = arith.cmpi slt, %iota3A, %sign3A_5 : vector<160x160xi32>
    %sign3A_7 = arith.extui %sign3A_6 : vector<160x160xi1> to vector<160x160xi32>
    %sign3A_8 = arith.subi %sign3A_3, %sign3A_7 : vector<160x160xi32>
    %sign3A_9 = arith.constant 0 : i32
    %sign3A_10 = arith.cmpi sgt, %jit3A, %sign3A_9 : i32
    %sign3A_11 = arith.extui %sign3A_10 : i1 to i32
    %sign3A_12 = arith.constant 0 : i32
    %sign3A_13 = arith.cmpi slt, %jit3A, %sign3A_12 : i32
    %sign3A_14 = arith.extui %sign3A_13 : i1 to i32
    %sign3A_15 = arith.subi %sign3A_11, %sign3A_14 : i32
    %ne3A = vector.broadcast %sign3A_15 : i32 to vector<160x160xi32>
    %ne3A_16 = arith.cmpi ne, %sign3A_8, %ne3A : vector<160x160xi32>
    %rem3A = vector.broadcast %jit3A : i32 to vector<160x160xi32>
    %rem3A_17 = arith.remsi %iota3A, %rem3A : vector<160x160xi32>
    %ne3A_18 = arith.constant 0 : i32
    %ne3A_19 = vector.broadcast %ne3A_18 : i32 to vector<160x160xi32>
    %ne3A_20 = arith.cmpi ne, %rem3A_17, %ne3A_19 : vector<160x160xi32>
    %and3A = arith.andi %ne3A_16, %ne3A_20 : vector<160x160xi1>
    %sub3A = arith.constant 1 : i32
    %sub3A_21 = vector.broadcast %sub3A : i32 to vector<160x160xi32>
    %sub3A_22 = arith.subi %div3A_0, %sub3A_21 : vector<160x160xi32>
    %select_n3A = arith.select %and3A, %sub3A_22, %div3A_0 : vector<160x160xi1>, vector<160x160xi32>
    %iota3A_23 = tpu.iota {dimensions = array<i32: 1>} : vector<160x160xi32>
    %jit3A_24 = arith.constant 10 : i32
    %div3A_25 = vector.broadcast %jit3A_24 : i32 to vector<160x160xi32>
    %div3A_26 = arith.divsi %iota3A_23, %div3A_25 : vector<160x160xi32>
    %sign3A_27 = arith.constant 0 : i32
    %sign3A_28 = vector.broadcast %sign3A_27 : i32 to vector<160x160xi32>
    %sign3A_29 = arith.cmpi sgt, %iota3A_23, %sign3A_28 : vector<160x160xi32>
    %sign3A_30 = arith.extui %sign3A_29 : vector<160x160xi1> to vector<160x160xi32>
    %sign3A_31 = arith.constant 0 : i32
    %sign3A_32 = vector.broadcast %sign3A_31 : i32 to vector<160x160xi32>
    %sign3A_33 = arith.cmpi slt, %iota3A_23, %sign3A_32 : vector<160x160xi32>
    %sign3A_34 = arith.extui %sign3A_33 : vector<160x160xi1> to vector<160x160xi32>
    %sign3A_35 = arith.subi %sign3A_30, %sign3A_34 : vector<160x160xi32>
    %sign3A_36 = arith.constant 0 : i32
    %sign3A_37 = arith.cmpi sgt, %jit3A_24, %sign3A_36 : i32
    %sign3A_38 = arith.extui %sign3A_37 : i1 to i32
    %sign3A_39 = arith.constant 0 : i32
    %sign3A_40 = arith.cmpi slt, %jit3A_24, %sign3A_39 : i32
    %sign3A_41 = arith.extui %sign3A_40 : i1 to i32
    %sign3A_42 = arith.subi %sign3A_38, %sign3A_41 : i32
    %ne3A_43 = vector.broadcast %sign3A_42 : i32 to vector<160x160xi32>
    %ne3A_44 = arith.cmpi ne, %sign3A_35, %ne3A_43 : vector<160x160xi32>
    %rem3A_45 = vector.broadcast %jit3A_24 : i32 to vector<160x160xi32>
    %rem3A_46 = arith.remsi %iota3A_23, %rem3A_45 : vector<160x160xi32>
    %ne3A_47 = arith.constant 0 : i32
    %ne3A_48 = vector.broadcast %ne3A_47 : i32 to vector<160x160xi32>
    %ne3A_49 = arith.cmpi ne, %rem3A_46, %ne3A_48 : vector<160x160xi32>
    %and3A_50 = arith.andi %ne3A_44, %ne3A_49 : vector<160x160xi1>
    %sub3A_51 = arith.constant 1 : i32
    %sub3A_52 = vector.broadcast %sub3A_51 : i32 to vector<160x160xi32>
    %sub3A_53 = arith.subi %div3A_26, %sub3A_52 : vector<160x160xi32>
    %select_n3A_54 = arith.select %and3A_50, %sub3A_53, %div3A_26 : vector<160x160xi1>, vector<160x160xi32>
    %eq3A = arith.cmpi eq, %select_n3A, %select_n3A_54 : vector<160x160xi32>
    %get3A = arith.constant 0 : index
    %get3A_55 = arith.constant 0 : index
    %get3A_56 = vector.load %arg1[%get3A, %get3A_55] : memref<4000x128xf32, #tpu.memory_space<vmem>>, vector<160x128xf32>
    %dot_general3A = arith.constant dense<0.000000e+00> : vector<160x160xf32>
    %dot_general3A_57 = tpu.matmul %get3A_56, %get3A_56, %dot_general3A {dimension_numbers = #tpu.dot_dimension_numbers<[1], [1], [0], [0], [0, 0, 1, 0], [], []>, transpose_lhs_hint = false} : vector<160x128xf32>, vector<160x128xf32>, vector<160x160xf32> -> vector<160x160xf32>
    %ge3A = arith.constant 0.000000e+00 : f32
    %ge3A_58 = vector.broadcast %ge3A : f32 to vector<160x160xf32>
    %ge3A_59 = arith.cmpf oge, %dot_general3A_57, %ge3A_58 : vector<160x160xf32>
    %mul3A = arith.constant 2.000000e-01 : f32
    %mul3A_60 = vector.broadcast %mul3A : f32 to vector<160x160xf32>
    %mul3A_61 = arith.mulf %mul3A_60, %dot_general3A_57 : vector<160x160xf32>
    %select_n3A_62 = arith.select %ge3A_59, %dot_general3A_57, %mul3A_61 : vector<160x160xi1>, vector<160x160xf32>
    %jit3A_63 = arith.constant 0xFF800000 : f32
    %broadcast_in_dim3A = vector.broadcast %jit3A_63 : f32 to vector<160x160xf32>
    %select_n3A_64 = arith.select %eq3A, %select_n3A_62, %broadcast_in_dim3A : vector<160x160xi1>, vector<160x160xf32>
    %reduce_max3A = arith.constant dense<0xFF800000> : vector<160xf32>
    %reduce_max3A_65 = vector.multi_reduction <maximumf>, %select_n3A_64, %reduce_max3A [0] : vector<160x160xf32> to vector<160xf32>
    %broadcast_in_dim3A_66 = vector.shape_cast %reduce_max3A_65 : vector<160xf32> to vector<1x160xf32>
    %sub3A_67 = vector.broadcast %broadcast_in_dim3A_66 : vector<1x160xf32> to vector<160x160xf32>
    %sub3A_68 = arith.subf %select_n3A_62, %sub3A_67 : vector<160x160xf32>
    %exp3A = math.exp %sub3A_68 : vector<160x160xf32>
    %jit3A_69 = arith.constant 0.000000e+00 : f32
    %broadcast_in_dim3A_70 = vector.broadcast %jit3A_69 : f32 to vector<160x160xf32>
    %select_n3A_71 = arith.select %eq3A, %exp3A, %broadcast_in_dim3A_70 : vector<160x160xi1>, vector<160x160xf32>
    %reduce_sum3A = arith.constant dense<0.000000e+00> : vector<160xf32>
    %reduce_sum3A_72 = vector.multi_reduction <add>, %select_n3A_71, %reduce_sum3A [0] : vector<160x160xf32> to vector<160xf32>
    %broadcast_in_dim3A_73 = vector.shape_cast %reduce_sum3A_72 : vector<160xf32> to vector<1x160xf32>
    %div3A_74 = vector.broadcast %broadcast_in_dim3A_73 : vector<1x160xf32> to vector<160x160xf32>
    %div3A_75 = arith.divf %select_n3A_71, %div3A_74 : vector<160x160xf32>
    %dot_general3A_76 = arith.constant dense<0.000000e+00> : vector<160x128xf32>
    %dot_general3A_77 = tpu.matmul %div3A_75, %get3A_56, %dot_general3A_76 {dimension_numbers = #tpu.dot_dimension_numbers<[1], [0], [0], [1], [0, 0, 1, 1], [], []>, transpose_lhs_hint = false} : vector<160x160xf32>, vector<160x128xf32>, vector<160x128xf32> -> vector<160x128xf32>
    %gt3A = arith.constant 0.000000e+00 : f32
    %gt3A_78 = vector.broadcast %gt3A : f32 to vector<160x128xf32>
    %gt3A_79 = arith.cmpf ogt, %dot_general3A_77, %gt3A_78 : vector<160x128xf32>
    %min3A = arith.constant 0.000000e+00 : f32
    %min3A_80 = vector.broadcast %min3A : f32 to vector<160x128xf32>
    %min3A_81 = arith.minimumf %dot_general3A_77, %min3A_80 : vector<160x128xf32>
    %exp3A_82 = math.exp %min3A_81 : vector<160x128xf32>
    %sub3A_83 = arith.constant 1.000000e+00 : f32
    %sub3A_84 = vector.broadcast %sub3A_83 : f32 to vector<160x128xf32>
    %sub3A_85 = arith.subf %exp3A_82, %sub3A_84 : vector<160x128xf32>
    %select_n3A_86 = arith.select %gt3A_79, %dot_general3A_77, %sub3A_85 : vector<160x128xi1>, vector<160x128xf32>
    %reshape3A = vector.shape_cast %select_n3A_86 : vector<160x128xf32> to vector<16x10x128xf32>
    %swap3A = arith.constant 0 : index
    %swap3A_87 = arith.constant 0 : index
    %swap3A_88 = arith.constant 0 : index
    %swap3A_89 = vector.load %arg2[%swap3A, %swap3A_87, %swap3A_88] : memref<400x10x128xf32, #tpu.memory_space<vmem>>, vector<16x10x128xf32>
    tpu.vector_store %arg2[%swap3A, %swap3A_87, %swap3A_88], %reshape3A {strides = array<i32>} : memref<400x10x128xf32, #tpu.memory_space<vmem>>, vector<16x10x128xf32>,
    %get3A_90 = arith.constant 160 : index
    %get3A_91 = arith.constant 0 : index
    %get3A_92 = vector.load %arg1[%get3A_90, %get3A_91] : memref<4000x128xf32, #tpu.memory_space<vmem>>, vector<160x128xf32>
    %dot_general3A_93 = arith.constant dense<0.000000e+00> : vector<160x160xf32>
    %dot_general3A_94 = tpu.matmul %get3A_92, %get3A_92, %dot_general3A_93 {dimension_numbers = #tpu.dot_dimension_numbers<[1], [1], [0], [0], [0, 0, 1, 0], [], []>, transpose_lhs_hint = false} : vector<160x128xf32>, vector<160x128xf32>, vector<160x160xf32> -> vector<160x160xf32>
    %ge3A_95 = arith.constant 0.000000e+00 : f32
    %ge3A_96 = vector.broadcast %ge3A_95 : f32 to vector<160x160xf32>
    %ge3A_97 = arith.cmpf oge, %dot_general3A_94, %ge3A_96 : vector<160x160xf32>
    %mul3A_98 = arith.constant 2.000000e-01 : f32
    %mul3A_99 = vector.broadcast %mul3A_98 : f32 to vector<160x160xf32>
    %mul3A_100 = arith.mulf %mul3A_99, %dot_general3A_94 : vector<160x160xf32>
    %select_n3A_101 = arith.select %ge3A_97, %dot_general3A_94, %mul3A_100 : vector<160x160xi1>, vector<160x160xf32>
    %jit3A_102 = arith.constant 0xFF800000 : f32
    %broadcast_in_dim3A_103 = vector.broadcast %jit3A_102 : f32 to vector<160x160xf32>
    %select_n3A_104 = arith.select %eq3A, %select_n3A_101, %broadcast_in_dim3A_103 : vector<160x160xi1>, vector<160x160xf32>
    %reduce_max3A_105 = arith.constant dense<0xFF800000> : vector<160xf32>
    %reduce_max3A_106 = vector.multi_reduction <maximumf>, %select_n3A_104, %reduce_max3A_105 [0] : vector<160x160xf32> to vector<160xf32>
    %broadcast_in_dim3A_107 = vector.shape_cast %reduce_max3A_106 : vector<160xf32> to vector<1x160xf32>
    %sub3A_108 = vector.broadcast %broadcast_in_dim3A_107 : vector<1x160xf32> to vector<160x160xf32>
    %sub3A_109 = arith.subf %select_n3A_101, %sub3A_108 : vector<160x160xf32>
    %exp3A_110 = math.exp %sub3A_109 : vector<160x160xf32>
    %jit3A_111 = arith.constant 0.000000e+00 : f32
    %broadcast_in_dim3A_112 = vector.broadcast %jit3A_111 : f32 to vector<160x160xf32>
    %select_n3A_113 = arith.select %eq3A, %exp3A_110, %broadcast_in_dim3A_112 : vector<160x160xi1>, vector<160x160xf32>
    %reduce_sum3A_114 = arith.constant dense<0.000000e+00> : vector<160xf32>
    %reduce_sum3A_115 = vector.multi_reduction <add>, %select_n3A_113, %reduce_sum3A_114 [0] : vector<160x160xf32> to vector<160xf32>
    %broadcast_in_dim3A_116 = vector.shape_cast %reduce_sum3A_115 : vector<160xf32> to vector<1x160xf32>
    %div3A_117 = vector.broadcast %broadcast_in_dim3A_116 : vector<1x160xf32> to vector<160x160xf32>
    %div3A_118 = arith.divf %select_n3A_113, %div3A_117 : vector<160x160xf32>
    %dot_general3A_119 = arith.constant dense<0.000000e+00> : vector<160x128xf32>
    %dot_general3A_120 = tpu.matmul %div3A_118, %get3A_92, %dot_general3A_119 {dimension_numbers = #tpu.dot_dimension_numbers<[1], [0], [0], [1], [0, 0, 1, 1], [], []>, transpose_lhs_hint = false} : vector<160x160xf32>, vector<160x128xf32>, vector<160x128xf32> -> vector<160x128xf32>
    %gt3A_121 = arith.constant 0.000000e+00 : f32
    %gt3A_122 = vector.broadcast %gt3A_121 : f32 to vector<160x128xf32>
    %gt3A_123 = arith.cmpf ogt, %dot_general3A_120, %gt3A_122 : vector<160x128xf32>
    %min3A_124 = arith.constant 0.000000e+00 : f32
    %min3A_125 = vector.broadcast %min3A_124 : f32 to vector<160x128xf32>
    %min3A_126 = arith.minimumf %dot_general3A_120, %min3A_125 : vector<160x128xf32>
    %exp3A_127 = math.exp %min3A_126 : vector<160x128xf32>
    %sub3A_128 = arith.constant 1.000000e+00 : f32
    %sub3A_129 = vector.broadcast %sub3A_128 : f32 to vector<160x128xf32>
    %sub3A_130 = arith.subf %exp3A_127, %sub3A_129 : vector<160x128xf32>
    %select_n3A_131 = arith.select %gt3A_123, %dot_general3A_120, %sub3A_130 : vector<160x128xi1>, vector<160x128xf32>
    %reshape3A_132 = vector.shape_cast %select_n3A_131 : vector<160x128xf32> to vector<16x10x128xf32>
    %swap3A_133 = arith.constant 16 : index
    %swap3A_134 = arith.constant 0 : index
    %swap3A_135 = arith.constant 0 : index
    %swap3A_136 = vector.load %arg2[%swap3A_133, %swap3A_134, %swap3A_135] : memref<400x10x128xf32, #tpu.memory_space<vmem>>, vector<16x10x128xf32>
    tpu.vector_store %arg2[%swap3A_133, %swap3A_134, %swap3A_135], %reshape3A_132 {strides = array<i32>} : memref<400x10x128xf32, #tpu.memory_space<vmem>>, vector<16x10x128xf32>,
    %get3A_137 = arith.constant 320 : index
    %get3A_138 = arith.constant 0 : index
    %get3A_139 = vector.load %arg1[%get3A_137, %get3A_138] : memref<4000x128xf32, #tpu.memory_space<vmem>>, vector<160x128xf32>
    %dot_general3A_140 = arith.constant dense<0.000000e+00> : vector<160x160xf32>
    %dot_general3A_141 = tpu.matmul %get3A_139, %get3A_139, %dot_general3A_140 {dimension_numbers = #tpu.dot_dimension_numbers<[1], [1], [0], [0], [0, 0, 1, 0], [], []>, transpose_lhs_hint = false} : vector<160x128xf32>, vector<160x128xf32>, vector<160x160xf32> -> vector<160x160xf32>
    %ge3A_142 = arith.constant 0.000000e+00 : f32
    %ge3A_143 = vector.broadcast %ge3A_142 : f32 to vector<160x160xf32>
    %ge3A_144 = arith.cmpf oge, %dot_general3A_141, %ge3A_143 : vector<160x160xf32>
    %mul3A_145 = arith.constant 2.000000e-01 : f32
    %mul3A_146 = vector.broadcast %mul3A_145 : f32 to vector<160x160xf32>
    %mul3A_147 = arith.mulf %mul3A_146, %dot_general3A_141 : vector<160x160xf32>
    %select_n3A_148 = arith.select %ge3A_144, %dot_general3A_141, %mul3A_147 : vector<160x160xi1>, vector<160x160xf32>
    %jit3A_149 = arith.constant 0xFF800000 : f32
    %broadcast_in_dim3A_150 = vector.broadcast %jit3A_149 : f32 to vector<160x160xf32>
    %select_n3A_151 = arith.select %eq3A, %select_n3A_148, %broadcast_in_dim3A_150 : vector<160x160xi1>, vector<160x160xf32>
    %reduce_max3A_152 = arith.constant dense<0xFF800000> : vector<160xf32>
    %reduce_max3A_153 = vector.multi_reduction <maximumf>, %select_n3A_151, %reduce_max3A_152 [0] : vector<160x160xf32> to vector<160xf32>
    %broadcast_in_dim3A_154 = vector.shape_cast %reduce_max3A_153 : vector<160xf32> to vector<1x160xf32>
    %sub3A_155 = vector.broadcast %broadcast_in_dim3A_154 : vector<1x160xf32> to vector<160x160xf32>
    %sub3A_156 = arith.subf %select_n3A_148, %sub3A_155 : vector<160x160xf32>
    %exp3A_157 = math.exp %sub3A_156 : vector<160x160xf32>
    %jit3A_158 = arith.constant 0.000000e+00 : f32
    %broadcast_in_dim3A_159 = vector.broadcast %jit3A_158 : f32 to vector<160x160xf32>
    %select_n3A_160 = arith.select %eq3A, %exp3A_157, %broadcast_in_dim3A_159 : vector<160x160xi1>, vector<160x160xf32>
    %reduce_sum3A_161 = arith.constant dense<0.000000e+00> : vector<160xf32>
    %reduce_sum3A_162 = vector.multi_reduction <add>, %select_n3A_160, %reduce_sum3A_161 [0] : vector<160x160xf32> to vector<160xf32>
    %broadcast_in_dim3A_163 = vector.shape_cast %reduce_sum3A_162 : vector<160xf32> to vector<1x160xf32>
    %div3A_164 = vector.broadcast %broadcast_in_dim3A_163 : vector<1x160xf32> to vector<160x160xf32>
    %div3A_165 = arith.divf %select_n3A_160, %div3A_164 : vector<160x160xf32>
    %dot_general3A_166 = arith.constant dense<0.000000e+00> : vector<160x128xf32>
    %dot_general3A_167 = tpu.matmul %div3A_165, %get3A_139, %dot_general3A_166 {dimension_numbers = #tpu.dot_dimension_numbers<[1], [0], [0], [1], [0, 0, 1, 1], [], []>, transpose_lhs_hint = false} : vector<160x160xf32>, vector<160x128xf32>, vector<160x128xf32> -> vector<160x128xf32>
    %gt3A_168 = arith.constant 0.000000e+00 : f32
    %gt3A_169 = vector.broadcast %gt3A_168 : f32 to vector<160x128xf32>
    %gt3A_170 = arith.cmpf ogt, %dot_general3A_167, %gt3A_169 : vector<160x128xf32>
    %min3A_171 = arith.constant 0.000000e+00 : f32
    %min3A_172 = vector.broadcast %min3A_171 : f32 to vector<160x128xf32>
    %min3A_173 = arith.minimumf %dot_general3A_167, %min3A_172 : vector<160x128xf32>
    %exp3A_174 = math.exp %min3A_173 : vector<160x128xf32>
    %sub3A_175 = arith.constant 1.000000e+00 : f32
    %sub3A_176 = vector.broadcast %sub3A_175 : f32 to vector<160x128xf32>
    %sub3A_177 = arith.subf %exp3A_174, %sub3A_176 : vector<160x128xf32>
    %select_n3A_178 = arith.select %gt3A_170, %dot_general3A_167, %sub3A_177 : vector<160x128xi1>, vector<160x128xf32>
    %reshape3A_179 = vector.shape_cast %select_n3A_178 : vector<160x128xf32> to vector<16x10x128xf32>
    %swap3A_180 = arith.constant 32 : index
    %swap3A_181 = arith.constant 0 : index
    %swap3A_182 = arith.constant 0 : index
    %swap3A_183 = vector.load %arg2[%swap3A_180, %swap3A_181, %swap3A_182] : memref<400x10x128xf32, #tpu.memory_space<vmem>>, vector<16x10x128xf32>
    tpu.vector_store %arg2[%swap3A_180, %swap3A_181, %swap3A_182], %reshape3A_179 {strides = array<i32>} : memref<400x10x128xf32, #tpu.memory_space<vmem>>, vector<16x10x128xf32>,
    %get3A_184 = arith.constant 480 : index
    %get3A_185 = arith.constant 0 : index
    %get3A_186 = vector.load %arg1[%get3A_184, %get3A_185] : memref<4000x128xf32, #tpu.memory_space<vmem>>, vector<160x128xf32>
    %dot_general3A_187 = arith.constant dense<0.000000e+00> : vector<160x160xf32>
    %dot_general3A_188 = tpu.matmul %get3A_186, %get3A_186, %dot_general3A_187 {dimension_numbers = #tpu.dot_dimension_numbers<[1], [1], [0], [0], [0, 0, 1, 0], [], []>, transpose_lhs_hint = false} : vector<160x128xf32>, vector<160x128xf32>, vector<160x160xf32> -> vector<160x160xf32>
    %ge3A_189 = arith.constant 0.000000e+00 : f32
    %ge3A_190 = vector.broadcast %ge3A_189 : f32 to vector<160x160xf32>
    %ge3A_191 = arith.cmpf oge, %dot_general3A_188, %ge3A_190 : vector<160x160xf32>
    %mul3A_192 = arith.constant 2.000000e-01 : f32
    %mul3A_193 = vector.broadcast %mul3A_192 : f32 to vector<160x160xf32>
    %mul3A_194 = arith.mulf %mul3A_193, %dot_general3A_188 : vector<160x160xf32>
    %select_n3A_195 = arith.select %ge3A_191, %dot_general3A_188, %mul3A_194 : vector<160x160xi1>, vector<160x160xf32>
    %jit3A_196 = arith.constant 0xFF800000 : f32
    %broadcast_in_dim3A_197 = vector.broadcast %jit3A_196 : f32 to vector<160x160xf32>
    %select_n3A_198 = arith.select %eq3A, %select_n3A_195, %broadcast_in_dim3A_197 : vector<160x160xi1>, vector<160x160xf32>
    %reduce_max3A_199 = arith.constant dense<0xFF800000> : vector<160xf32>
    %reduce_max3A_200 = vector.multi_reduction <maximumf>, %select_n3A_198, %reduce_max3A_199 [0] : vector<160x160xf32> to vector<160xf32>
    %broadcast_in_dim3A_201 = vector.shape_cast %reduce_max3A_200 : vector<160xf32> to vector<1x160xf32>
    %sub3A_202 = vector.broadcast %broadcast_in_dim3A_201 : vector<1x160xf32> to vector<160x160xf32>
    %sub3A_203 = arith.subf %select_n3A_195, %sub3A_202 : vector<160x160xf32>
    %exp3A_204 = math.exp %sub3A_203 : vector<160x160xf32>
    %jit3A_205 = arith.constant 0.000000e+00 : f32
    %broadcast_in_dim3A_206 = vector.broadcast %jit3A_205 : f32 to vector<160x160xf32>
    %select_n3A_207 = arith.select %eq3A, %exp3A_204, %broadcast_in_dim3A_206 : vector<160x160xi1>, vector<160x160xf32>
    %reduce_sum3A_208 = arith.constant dense<0.000000e+00> : vector<160xf32>
    %reduce_sum3A_209 = vector.multi_reduction <add>, %select_n3A_207, %reduce_sum3A_208 [0] : vector<160x160xf32> to vector<160xf32>
    %broadcast_in_dim3A_210 = vector.shape_cast %reduce_sum3A_209 : vector<160xf32> to vector<1x160xf32>
    %div3A_211 = vector.broadcast %broadcast_in_dim3A_210 : vector<1x160xf32> to vector<160x160xf32>
    %div3A_212 = arith.divf %select_n3A_207, %div3A_211 : vector<160x160xf32>
    %dot_general3A_213 = arith.constant dense<0.000000e+00> : vector<160x128xf32>
    %dot_general3A_214 = tpu.matmul %div3A_212, %get3A_186, %dot_general3A_213 {dimension_numbers = #tpu.dot_dimension_numbers<[1], [0], [0], [1], [0, 0, 1, 1], [], []>, transpose_lhs_hint = false} : vector<160x160xf32>, vector<160x128xf32>, vector<160x128xf32> -> vector<160x128xf32>
    %gt3A_215 = arith.constant 0.000000e+00 : f32
    %gt3A_216 = vector.broadcast %gt3A_215 : f32 to vector<160x128xf32>
    %gt3A_217 = arith.cmpf ogt, %dot_general3A_214, %gt3A_216 : vector<160x128xf32>
    %min3A_218 = arith.constant 0.000000e+00 : f32
    %min3A_219 = vector.broadcast %min3A_218 : f32 to vector<160x128xf32>
    %min3A_220 = arith.minimumf %dot_general3A_214, %min3A_219 : vector<160x128xf32>
    %exp3A_221 = math.exp %min3A_220 : vector<160x128xf32>
    %sub3A_222 = arith.constant 1.000000e+00 : f32
    %sub3A_223 = vector.broadcast %sub3A_222 : f32 to vector<160x128xf32>
    %sub3A_224 = arith.subf %exp3A_221, %sub3A_223 : vector<160x128xf32>
    %select_n3A_225 = arith.select %gt3A_217, %dot_general3A_214, %sub3A_224 : vector<160x128xi1>, vector<160x128xf32>
    %reshape3A_226 = vector.shape_cast %select_n3A_225 : vector<160x128xf32> to vector<16x10x128xf32>
    %swap3A_227 = arith.constant 48 : index
    %swap3A_228 = arith.constant 0 : index
    %swap3A_229 = arith.constant 0 : index
    %swap3A_230 = vector.load %arg2[%swap3A_227, %swap3A_228, %swap3A_229] : memref<400x10x128xf32, #tpu.memory_space<vmem>>, vector<16x10x128xf32>
    tpu.vector_store %arg2[%swap3A_227, %swap3A_228, %swap3A_229], %reshape3A_226 {strides = array<i32>} : memref<400x10x128xf32, #tpu.memory_space<vmem>>, vector<16x10x128xf32>,
    %get3A_231 = arith.constant 640 : index
    %get3A_232 = arith.constant 0 : index
    %get3A_233 = vector.load %arg1[%get3A_231, %get3A_232] : memref<4000x128xf32, #tpu.memory_space<vmem>>, vector<160x128xf32>
    %dot_general3A_234 = arith.constant dense<0.000000e+00> : vector<160x160xf32>
    %dot_general3A_235 = tpu.matmul %get3A_233, %get3A_233, %dot_general3A_234 {dimension_numbers = #tpu.dot_dimension_numbers<[1], [1], [0], [0], [0, 0, 1, 0], [], []>, transpose_lhs_hint = false} : vector<160x128xf32>, vector<160x128xf32>, vector<160x160xf32> -> vector<160x160xf32>
    %ge3A_236 = arith.constant 0.000000e+00 : f32
    %ge3A_237 = vector.broadcast %ge3A_236 : f32 to vector<160x160xf32>
    %ge3A_238 = arith.cmpf oge, %dot_general3A_235, %ge3A_237 : vector<160x160xf32>
    %mul3A_239 = arith.constant 2.000000e-01 : f32
    %mul3A_240 = vector.broadcast %mul3A_239 : f32 to vector<160x160xf32>
    %mul3A_241 = arith.mulf %mul3A_240, %dot_general3A_235 : vector<160x160xf32>
    %select_n3A_242 = arith.select %ge3A_238, %dot_general3A_235, %mul3A_241 : vector<160x160xi1>, vector<160x160xf32>
    %jit3A_243 = arith.constant 0xFF800000 : f32
    %broadcast_in_dim3A_244 = vector.broadcast %jit3A_243 : f32 to vector<160x160xf32>
    %select_n3A_245 = arith.select %eq3A, %select_n3A_242, %broadcast_in_dim3A_244 : vector<160x160xi1>, vector<160x160xf32>
    %reduce_max3A_246 = arith.constant dense<0xFF800000> : vector<160xf32>
    %reduce_max3A_247 = vector.multi_reduction <maximumf>, %select_n3A_245, %reduce_max3A_246 [0] : vector<160x160xf32> to vector<160xf32>
    %broadcast_in_dim3A_248 = vector.shape_cast %reduce_max3A_247 : vector<160xf32> to vector<1x160xf32>
    %sub3A_249 = vector.broadcast %broadcast_in_dim3A_248 : vector<1x160xf32> to vector<160x160xf32>
    %sub3A_250 = arith.subf %select_n3A_242, %sub3A_249 : vector<160x160xf32>
    %exp3A_251 = math.exp %sub3A_250 : vector<160x160xf32>
    %jit3A_252 = arith.constant 0.000000e+00 : f32
    %broadcast_in_dim3A_253 = vector.broadcast %jit3A_252 : f32 to vector<160x160xf32>
    %select_n3A_254 = arith.select %eq3A, %exp3A_251, %broadcast_in_dim3A_253 : vector<160x160xi1>, vector<160x160xf32>
    %reduce_sum3A_255 = arith.constant dense<0.000000e+00> : vector<160xf32>
    %reduce_sum3A_256 = vector.multi_reduction <add>, %select_n3A_254, %reduce_sum3A_255 [0] : vector<160x160xf32> to vector<160xf32>
    %broadcast_in_dim3A_257 = vector.shape_cast %reduce_sum3A_256 : vector<160xf32> to vector<1x160xf32>
    %div3A_258 = vector.broadcast %broadcast_in_dim3A_257 : vector<1x160xf32> to vector<160x160xf32>
    %div3A_259 = arith.divf %select_n3A_254, %div3A_258 : vector<160x160xf32>
    %dot_general3A_260 = arith.constant dense<0.000000e+00> : vector<160x128xf32>
    %dot_general3A_261 = tpu.matmul %div3A_259, %get3A_233, %dot_general3A_260 {dimension_numbers = #tpu.dot_dimension_numbers<[1], [0], [0], [1], [0, 0, 1, 1], [], []>, transpose_lhs_hint = false} : vector<160x160xf32>, vector<160x128xf32>, vector<160x128xf32> -> vector<160x128xf32>
    %gt3A_262 = arith.constant 0.000000e+00 : f32
    %gt3A_263 = vector.broadcast %gt3A_262 : f32 to vector<160x128xf32>
    %gt3A_264 = arith.cmpf ogt, %dot_general3A_261, %gt3A_263 : vector<160x128xf32>
    %min3A_265 = arith.constant 0.000000e+00 : f32
    %min3A_266 = vector.broadcast %min3A_265 : f32 to vector<160x128xf32>
    %min3A_267 = arith.minimumf %dot_general3A_261, %min3A_266 : vector<160x128xf32>
    %exp3A_268 = math.exp %min3A_267 : vector<160x128xf32>
    %sub3A_269 = arith.constant 1.000000e+00 : f32
    %sub3A_270 = vector.broadcast %sub3A_269 : f32 to vector<160x128xf32>
    %sub3A_271 = arith.subf %exp3A_268, %sub3A_270 : vector<160x128xf32>
    %select_n3A_272 = arith.select %gt3A_264, %dot_general3A_261, %sub3A_271 : vector<160x128xi1>, vector<160x128xf32>
    %reshape3A_273 = vector.shape_cast %select_n3A_272 : vector<160x128xf32> to vector<16x10x128xf32>
    %swap3A_274 = arith.constant 64 : index
    %swap3A_275 = arith.constant 0 : index
    %swap3A_276 = arith.constant 0 : index
    %swap3A_277 = vector.load %arg2[%swap3A_274, %swap3A_275, %swap3A_276] : memref<400x10x128xf32, #tpu.memory_space<vmem>>, vector<16x10x128xf32>
    tpu.vector_store %arg2[%swap3A_274, %swap3A_275, %swap3A_276], %reshape3A_273 {strides = array<i32>} : memref<400x10x128xf32, #tpu.memory_space<vmem>>, vector<16x10x128xf32>,
    %get3A_278 = arith.constant 800 : index
    %get3A_279 = arith.constant 0 : index
    %get3A_280 = vector.load %arg1[%get3A_278, %get3A_279] : memref<4000x128xf32, #tpu.memory_space<vmem>>, vector<160x128xf32>
    %dot_general3A_281 = arith.constant dense<0.000000e+00> : vector<160x160xf32>
    %dot_general3A_282 = tpu.matmul %get3A_280, %get3A_280, %dot_general3A_281 {dimension_numbers = #tpu.dot_dimension_numbers<[1], [1], [0], [0], [0, 0, 1, 0], [], []>, transpose_lhs_hint = false} : vector<160x128xf32>, vector<160x128xf32>, vector<160x160xf32> -> vector<160x160xf32>
    %ge3A_283 = arith.constant 0.000000e+00 : f32
    %ge3A_284 = vector.broadcast %ge3A_283 : f32 to vector<160x160xf32>
    %ge3A_285 = arith.cmpf oge, %dot_general3A_282, %ge3A_284 : vector<160x160xf32>
    %mul3A_286 = arith.constant 2.000000e-01 : f32
    %mul3A_287 = vector.broadcast %mul3A_286 : f32 to vector<160x160xf32>
    %mul3A_288 = arith.mulf %mul3A_287, %dot_general3A_282 : vector<160x160xf32>
    %select_n3A_289 = arith.select %ge3A_285, %dot_general3A_282, %mul3A_288 : vector<160x160xi1>, vector<160x160xf32>
    %jit3A_290 = arith.constant 0xFF800000 : f32
    %broadcast_in_dim3A_291 = vector.broadcast %jit3A_290 : f32 to vector<160x160xf32>
    %select_n3A_292 = arith.select %eq3A, %select_n3A_289, %broadcast_in_dim3A_291 : vector<160x160xi1>, vector<160x160xf32>
    %reduce_max3A_293 = arith.constant dense<0xFF800000> : vector<160xf32>
    %reduce_max3A_294 = vector.multi_reduction <maximumf>, %select_n3A_292, %reduce_max3A_293 [0] : vector<160x160xf32> to vector<160xf32>
    %broadcast_in_dim3A_295 = vector.shape_cast %reduce_max3A_294 : vector<160xf32> to vector<1x160xf32>
    %sub3A_296 = vector.broadcast %broadcast_in_dim3A_295 : vector<1x160xf32> to vector<160x160xf32>
    %sub3A_297 = arith.subf %select_n3A_289, %sub3A_296 : vector<160x160xf32>
    %exp3A_298 = math.exp %sub3A_297 : vector<160x160xf32>
    %jit3A_299 = arith.constant 0.000000e+00 : f32
    %broadcast_in_dim3A_300 = vector.broadcast %jit3A_299 : f32 to vector<160x160xf32>
    %select_n3A_301 = arith.select %eq3A, %exp3A_298, %broadcast_in_dim3A_300 : vector<160x160xi1>, vector<160x160xf32>
    %reduce_sum3A_302 = arith.constant dense<0.000000e+00> : vector<160xf32>
    %reduce_sum3A_303 = vector.multi_reduction <add>, %select_n3A_301, %reduce_sum3A_302 [0] : vector<160x160xf32> to vector<160xf32>
    %broadcast_in_dim3A_304 = vector.shape_cast %reduce_sum3A_303 : vector<160xf32> to vector<1x160xf32>
    %div3A_305 = vector.broadcast %broadcast_in_dim3A_304 : vector<1x160xf32> to vector<160x160xf32>
    %div3A_306 = arith.divf %select_n3A_301, %div3A_305 : vector<160x160xf32>
    %dot_general3A_307 = arith.constant dense<0.000000e+00> : vector<160x128xf32>
    %dot_general3A_308 = tpu.matmul %div3A_306, %get3A_280, %dot_general3A_307 {dimension_numbers = #tpu.dot_dimension_numbers<[1], [0], [0], [1], [0, 0, 1, 1], [], []>, transpose_lhs_hint = false} : vector<160x160xf32>, vector<160x128xf32>, vector<160x128xf32> -> vector<160x128xf32>
    %gt3A_309 = arith.constant 0.000000e+00 : f32
    %gt3A_310 = vector.broadcast %gt3A_309 : f32 to vector<160x128xf32>
    %gt3A_311 = arith.cmpf ogt, %dot_general3A_308, %gt3A_310 : vector<160x128xf32>
    %min3A_312 = arith.constant 0.000000e+00 : f32
    %min3A_313 = vector.broadcast %min3A_312 : f32 to vector<160x128xf32>
    %min3A_314 = arith.minimumf %dot_general3A_308, %min3A_313 : vector<160x128xf32>
    %exp3A_315 = math.exp %min3A_314 : vector<160x128xf32>
    %sub3A_316 = arith.constant 1.000000e+00 : f32
    %sub3A_317 = vector.broadcast %sub3A_316 : f32 to vector<160x128xf32>
    %sub3A_318 = arith.subf %exp3A_315, %sub3A_317 : vector<160x128xf32>
    %select_n3A_319 = arith.select %gt3A_311, %dot_general3A_308, %sub3A_318 : vector<160x128xi1>, vector<160x128xf32>
    %reshape3A_320 = vector.shape_cast %select_n3A_319 : vector<160x128xf32> to vector<16x10x128xf32>
    %swap3A_321 = arith.constant 80 : index
    %swap3A_322 = arith.constant 0 : index
    %swap3A_323 = arith.constant 0 : index
    %swap3A_324 = vector.load %arg2[%swap3A_321, %swap3A_322, %swap3A_323] : memref<400x10x128xf32, #tpu.memory_space<vmem>>, vector<16x10x128xf32>
    tpu.vector_store %arg2[%swap3A_321, %swap3A_322, %swap3A_323], %reshape3A_320 {strides = array<i32>} : memref<400x10x128xf32, #tpu.memory_space<vmem>>, vector<16x10x128xf32>,
    %get3A_325 = arith.constant 960 : index
    %get3A_326 = arith.constant 0 : index
    %get3A_327 = vector.load %arg1[%get3A_325, %get3A_326] : memref<4000x128xf32, #tpu.memory_space<vmem>>, vector<160x128xf32>
    %dot_general3A_328 = arith.constant dense<0.000000e+00> : vector<160x160xf32>
    %dot_general3A_329 = tpu.matmul %get3A_327, %get3A_327, %dot_general3A_328 {dimension_numbers = #tpu.dot_dimension_numbers<[1], [1], [0], [0], [0, 0, 1, 0], [], []>, transpose_lhs_hint = false} : vector<160x128xf32>, vector<160x128xf32>, vector<160x160xf32> -> vector<160x160xf32>
    %ge3A_330 = arith.constant 0.000000e+00 : f32
    %ge3A_331 = vector.broadcast %ge3A_330 : f32 to vector<160x160xf32>
    %ge3A_332 = arith.cmpf oge, %dot_general3A_329, %ge3A_331 : vector<160x160xf32>
    %mul3A_333 = arith.constant 2.000000e-01 : f32
    %mul3A_334 = vector.broadcast %mul3A_333 : f32 to vector<160x160xf32>
    %mul3A_335 = arith.mulf %mul3A_334, %dot_general3A_329 : vector<160x160xf32>
    %select_n3A_336 = arith.select %ge3A_332, %dot_general3A_329, %mul3A_335 : vector<160x160xi1>, vector<160x160xf32>
    %jit3A_337 = arith.constant 0xFF800000 : f32
    %broadcast_in_dim3A_338 = vector.broadcast %jit3A_337 : f32 to vector<160x160xf32>
    %select_n3A_339 = arith.select %eq3A, %select_n3A_336, %broadcast_in_dim3A_338 : vector<160x160xi1>, vector<160x160xf32>
    %reduce_max3A_340 = arith.constant dense<0xFF800000> : vector<160xf32>
    %reduce_max3A_341 = vector.multi_reduction <maximumf>, %select_n3A_339, %reduce_max3A_340 [0] : vector<160x160xf32> to vector<160xf32>
    %broadcast_in_dim3A_342 = vector.shape_cast %reduce_max3A_341 : vector<160xf32> to vector<1x160xf32>
    %sub3A_343 = vector.broadcast %broadcast_in_dim3A_342 : vector<1x160xf32> to vector<160x160xf32>
    %sub3A_344 = arith.subf %select_n3A_336, %sub3A_343 : vector<160x160xf32>
    %exp3A_345 = math.exp %sub3A_344 : vector<160x160xf32>
    %jit3A_346 = arith.constant 0.000000e+00 : f32
    %broadcast_in_dim3A_347 = vector.broadcast %jit3A_346 : f32 to vector<160x160xf32>
    %select_n3A_348 = arith.select %eq3A, %exp3A_345, %broadcast_in_dim3A_347 : vector<160x160xi1>, vector<160x160xf32>
    %reduce_sum3A_349 = arith.constant dense<0.000000e+00> : vector<160xf32>
    %reduce_sum3A_350 = vector.multi_reduction <add>, %select_n3A_348, %reduce_sum3A_349 [0] : vector<160x160xf32> to vector<160xf32>
    %broadcast_in_dim3A_351 = vector.shape_cast %reduce_sum3A_350 : vector<160xf32> to vector<1x160xf32>
    %div3A_352 = vector.broadcast %broadcast_in_dim3A_351 : vector<1x160xf32> to vector<160x160xf32>
    %div3A_353 = arith.divf %select_n3A_348, %div3A_352 : vector<160x160xf32>
    %dot_general3A_354 = arith.constant dense<0.000000e+00> : vector<160x128xf32>
    %dot_general3A_355 = tpu.matmul %div3A_353, %get3A_327, %dot_general3A_354 {dimension_numbers = #tpu.dot_dimension_numbers<[1], [0], [0], [1], [0, 0, 1, 1], [], []>, transpose_lhs_hint = false} : vector<160x160xf32>, vector<160x128xf32>, vector<160x128xf32> -> vector<160x128xf32>
    %gt3A_356 = arith.constant 0.000000e+00 : f32
    %gt3A_357 = vector.broadcast %gt3A_356 : f32 to vector<160x128xf32>
    %gt3A_358 = arith.cmpf ogt, %dot_general3A_355, %gt3A_357 : vector<160x128xf32>
    %min3A_359 = arith.constant 0.000000e+00 : f32
    %min3A_360 = vector.broadcast %min3A_359 : f32 to vector<160x128xf32>
    %min3A_361 = arith.minimumf %dot_general3A_355, %min3A_360 : vector<160x128xf32>
    %exp3A_362 = math.exp %min3A_361 : vector<160x128xf32>
    %sub3A_363 = arith.constant 1.000000e+00 : f32
    %sub3A_364 = vector.broadcast %sub3A_363 : f32 to vector<160x128xf32>
    %sub3A_365 = arith.subf %exp3A_362, %sub3A_364 : vector<160x128xf32>
    %select_n3A_366 = arith.select %gt3A_358, %dot_general3A_355, %sub3A_365 : vector<160x128xi1>, vector<160x128xf32>
    %reshape3A_367 = vector.shape_cast %select_n3A_366 : vector<160x128xf32> to vector<16x10x128xf32>
    %swap3A_368 = arith.constant 96 : index
    %swap3A_369 = arith.constant 0 : index
    %swap3A_370 = arith.constant 0 : index
    %swap3A_371 = vector.load %arg2[%swap3A_368, %swap3A_369, %swap3A_370] : memref<400x10x128xf32, #tpu.memory_space<vmem>>, vector<16x10x128xf32>
    tpu.vector_store %arg2[%swap3A_368, %swap3A_369, %swap3A_370], %reshape3A_367 {strides = array<i32>} : memref<400x10x128xf32, #tpu.memory_space<vmem>>, vector<16x10x128xf32>,
    %get3A_372 = arith.constant 1120 : index
    %get3A_373 = arith.constant 0 : index
    %get3A_374 = vector.load %arg1[%get3A_372, %get3A_373] : memref<4000x128xf32, #tpu.memory_space<vmem>>, vector<160x128xf32>
    %dot_general3A_375 = arith.constant dense<0.000000e+00> : vector<160x160xf32>
    %dot_general3A_376 = tpu.matmul %get3A_374, %get3A_374, %dot_general3A_375 {dimension_numbers = #tpu.dot_dimension_numbers<[1], [1], [0], [0], [0, 0, 1, 0], [], []>, transpose_lhs_hint = false} : vector<160x128xf32>, vector<160x128xf32>, vector<160x160xf32> -> vector<160x160xf32>
    %ge3A_377 = arith.constant 0.000000e+00 : f32
    %ge3A_378 = vector.broadcast %ge3A_377 : f32 to vector<160x160xf32>
    %ge3A_379 = arith.cmpf oge, %dot_general3A_376, %ge3A_378 : vector<160x160xf32>
    %mul3A_380 = arith.constant 2.000000e-01 : f32
    %mul3A_381 = vector.broadcast %mul3A_380 : f32 to vector<160x160xf32>
    %mul3A_382 = arith.mulf %mul3A_381, %dot_general3A_376 : vector<160x160xf32>
    %select_n3A_383 = arith.select %ge3A_379, %dot_general3A_376, %mul3A_382 : vector<160x160xi1>, vector<160x160xf32>
    %jit3A_384 = arith.constant 0xFF800000 : f32
    %broadcast_in_dim3A_385 = vector.broadcast %jit3A_384 : f32 to vector<160x160xf32>
    %select_n3A_386 = arith.select %eq3A, %select_n3A_383, %broadcast_in_dim3A_385 : vector<160x160xi1>, vector<160x160xf32>
    %reduce_max3A_387 = arith.constant dense<0xFF800000> : vector<160xf32>
    %reduce_max3A_388 = vector.multi_reduction <maximumf>, %select_n3A_386, %reduce_max3A_387 [0] : vector<160x160xf32> to vector<160xf32>
    %broadcast_in_dim3A_389 = vector.shape_cast %reduce_max3A_388 : vector<160xf32> to vector<1x160xf32>
    %sub3A_390 = vector.broadcast %broadcast_in_dim3A_389 : vector<1x160xf32> to vector<160x160xf32>
    %sub3A_391 = arith.subf %select_n3A_383, %sub3A_390 : vector<160x160xf32>
    %exp3A_392 = math.exp %sub3A_391 : vector<160x160xf32>
    %jit3A_393 = arith.constant 0.000000e+00 : f32
    %broadcast_in_dim3A_394 = vector.broadcast %jit3A_393 : f32 to vector<160x160xf32>
    %select_n3A_395 = arith.select %eq3A, %exp3A_392, %broadcast_in_dim3A_394 : vector<160x160xi1>, vector<160x160xf32>
    %reduce_sum3A_396 = arith.constant dense<0.000000e+00> : vector<160xf32>
    %reduce_sum3A_397 = vector.multi_reduction <add>, %select_n3A_395, %reduce_sum3A_396 [0] : vector<160x160xf32> to vector<160xf32>
    %broadcast_in_dim3A_398 = vector.shape_cast %reduce_sum3A_397 : vector<160xf32> to vector<1x160xf32>
    %div3A_399 = vector.broadcast %broadcast_in_dim3A_398 : vector<1x160xf32> to vector<160x160xf32>
    %div3A_400 = arith.divf %select_n3A_395, %div3A_399 : vector<160x160xf32>
    %dot_general3A_401 = arith.constant dense<0.000000e+00> : vector<160x128xf32>
    %dot_general3A_402 = tpu.matmul %div3A_400, %get3A_374, %dot_general3A_401 {dimension_numbers = #tpu.dot_dimension_numbers<[1], [0], [0], [1], [0, 0, 1, 1], [], []>, transpose_lhs_hint = false} : vector<160x160xf32>, vector<160x128xf32>, vector<160x128xf32> -> vector<160x128xf32>
    %gt3A_403 = arith.constant 0.000000e+00 : f32
    %gt3A_404 = vector.broadcast %gt3A_403 : f32 to vector<160x128xf32>
    %gt3A_405 = arith.cmpf ogt, %dot_general3A_402, %gt3A_404 : vector<160x128xf32>
    %min3A_406 = arith.constant 0.000000e+00 : f32
    %min3A_407 = vector.broadcast %min3A_406 : f32 to vector<160x128xf32>
    %min3A_408 = arith.minimumf %dot_general3A_402, %min3A_407 : vector<160x128xf32>
    %exp3A_409 = math.exp %min3A_408 : vector<160x128xf32>
    %sub3A_410 = arith.constant 1.000000e+00 : f32
    %sub3A_411 = vector.broadcast %sub3A_410 : f32 to vector<160x128xf32>
    %sub3A_412 = arith.subf %exp3A_409, %sub3A_411 : vector<160x128xf32>
    %select_n3A_413 = arith.select %gt3A_405, %dot_general3A_402, %sub3A_412 : vector<160x128xi1>, vector<160x128xf32>
    %reshape3A_414 = vector.shape_cast %select_n3A_413 : vector<160x128xf32> to vector<16x10x128xf32>
    %swap3A_415 = arith.constant 112 : index
    %swap3A_416 = arith.constant 0 : index
    %swap3A_417 = arith.constant 0 : index
    %swap3A_418 = vector.load %arg2[%swap3A_415, %swap3A_416, %swap3A_417] : memref<400x10x128xf32, #tpu.memory_space<vmem>>, vector<16x10x128xf32>
    tpu.vector_store %arg2[%swap3A_415, %swap3A_416, %swap3A_417], %reshape3A_414 {strides = array<i32>} : memref<400x10x128xf32, #tpu.memory_space<vmem>>, vector<16x10x128xf32>,
    %get3A_419 = arith.constant 1280 : index
    %get3A_420 = arith.constant 0 : index
    %get3A_421 = vector.load %arg1[%get3A_419, %get3A_420] : memref<4000x128xf32, #tpu.memory_space<vmem>>, vector<160x128xf32>
    %dot_general3A_422 = arith.constant dense<0.000000e+00> : vector<160x160xf32>
    %dot_general3A_423 = tpu.matmul %get3A_421, %get3A_421, %dot_general3A_422 {dimension_numbers = #tpu.dot_dimension_numbers<[1], [1], [0], [0], [0, 0, 1, 0], [], []>, transpose_lhs_hint = false} : vector<160x128xf32>, vector<160x128xf32>, vector<160x160xf32> -> vector<160x160xf32>
    %ge3A_424 = arith.constant 0.000000e+00 : f32
    %ge3A_425 = vector.broadcast %ge3A_424 : f32 to vector<160x160xf32>
    %ge3A_426 = arith.cmpf oge, %dot_general3A_423, %ge3A_425 : vector<160x160xf32>
    %mul3A_427 = arith.constant 2.000000e-01 : f32
    %mul3A_428 = vector.broadcast %mul3A_427 : f32 to vector<160x160xf32>
    %mul3A_429 = arith.mulf %mul3A_428, %dot_general3A_423 : vector<160x160xf32>
    %select_n3A_430 = arith.select %ge3A_426, %dot_general3A_423, %mul3A_429 : vector<160x160xi1>, vector<160x160xf32>
    %jit3A_431 = arith.constant 0xFF800000 : f32
    %broadcast_in_dim3A_432 = vector.broadcast %jit3A_431 : f32 to vector<160x160xf32>
    %select_n3A_433 = arith.select %eq3A, %select_n3A_430, %broadcast_in_dim3A_432 : vector<160x160xi1>, vector<160x160xf32>
    %reduce_max3A_434 = arith.constant dense<0xFF800000> : vector<160xf32>
    %reduce_max3A_435 = vector.multi_reduction <maximumf>, %select_n3A_433, %reduce_max3A_434 [0] : vector<160x160xf32> to vector<160xf32>
    %broadcast_in_dim3A_436 = vector.shape_cast %reduce_max3A_435 : vector<160xf32> to vector<1x160xf32>
    %sub3A_437 = vector.broadcast %broadcast_in_dim3A_436 : vector<1x160xf32> to vector<160x160xf32>
    %sub3A_438 = arith.subf %select_n3A_430, %sub3A_437 : vector<160x160xf32>
    %exp3A_439 = math.exp %sub3A_438 : vector<160x160xf32>
    %jit3A_440 = arith.constant 0.000000e+00 : f32
    %broadcast_in_dim3A_441 = vector.broadcast %jit3A_440 : f32 to vector<160x160xf32>
    %select_n3A_442 = arith.select %eq3A, %exp3A_439, %broadcast_in_dim3A_441 : vector<160x160xi1>, vector<160x160xf32>
    %reduce_sum3A_443 = arith.constant dense<0.000000e+00> : vector<160xf32>
    %reduce_sum3A_444 = vector.multi_reduction <add>, %select_n3A_442, %reduce_sum3A_443 [0] : vector<160x160xf32> to vector<160xf32>
    %broadcast_in_dim3A_445 = vector.shape_cast %reduce_sum3A_444 : vector<160xf32> to vector<1x160xf32>
    %div3A_446 = vector.broadcast %broadcast_in_dim3A_445 : vector<1x160xf32> to vector<160x160xf32>
    %div3A_447 = arith.divf %select_n3A_442, %div3A_446 : vector<160x160xf32>
    %dot_general3A_448 = arith.constant dense<0.000000e+00> : vector<160x128xf32>
    %dot_general3A_449 = tpu.matmul %div3A_447, %get3A_421, %dot_general3A_448 {dimension_numbers = #tpu.dot_dimension_numbers<[1], [0], [0], [1], [0, 0, 1, 1], [], []>, transpose_lhs_hint = false} : vector<160x160xf32>, vector<160x128xf32>, vector<160x128xf32> -> vector<160x128xf32>
    %gt3A_450 = arith.constant 0.000000e+00 : f32
    %gt3A_451 = vector.broadcast %gt3A_450 : f32 to vector<160x128xf32>
    %gt3A_452 = arith.cmpf ogt, %dot_general3A_449, %gt3A_451 : vector<160x128xf32>
    %min3A_453 = arith.constant 0.000000e+00 : f32
    %min3A_454 = vector.broadcast %min3A_453 : f32 to vector<160x128xf32>
    %min3A_455 = arith.minimumf %dot_general3A_449, %min3A_454 : vector<160x128xf32>
    %exp3A_456 = math.exp %min3A_455 : vector<160x128xf32>
    %sub3A_457 = arith.constant 1.000000e+00 : f32
    %sub3A_458 = vector.broadcast %sub3A_457 : f32 to vector<160x128xf32>
    %sub3A_459 = arith.subf %exp3A_456, %sub3A_458 : vector<160x128xf32>
    %select_n3A_460 = arith.select %gt3A_452, %dot_general3A_449, %sub3A_459 : vector<160x128xi1>, vector<160x128xf32>
    %reshape3A_461 = vector.shape_cast %select_n3A_460 : vector<160x128xf32> to vector<16x10x128xf32>
    %swap3A_462 = arith.constant 128 : index
    %swap3A_463 = arith.constant 0 : index
    %swap3A_464 = arith.constant 0 : index
    %swap3A_465 = vector.load %arg2[%swap3A_462, %swap3A_463, %swap3A_464] : memref<400x10x128xf32, #tpu.memory_space<vmem>>, vector<16x10x128xf32>
    tpu.vector_store %arg2[%swap3A_462, %swap3A_463, %swap3A_464], %reshape3A_461 {strides = array<i32>} : memref<400x10x128xf32, #tpu.memory_space<vmem>>, vector<16x10x128xf32>,
    %get3A_466 = arith.constant 1440 : index
    %get3A_467 = arith.constant 0 : index
    %get3A_468 = vector.load %arg1[%get3A_466, %get3A_467] : memref<4000x128xf32, #tpu.memory_space<vmem>>, vector<160x128xf32>
    %dot_general3A_469 = arith.constant dense<0.000000e+00> : vector<160x160xf32>
    %dot_general3A_470 = tpu.matmul %get3A_468, %get3A_468, %dot_general3A_469 {dimension_numbers = #tpu.dot_dimension_numbers<[1], [1], [0], [0], [0, 0, 1, 0], [], []>, transpose_lhs_hint = false} : vector<160x128xf32>, vector<160x128xf32>, vector<160x160xf32> -> vector<160x160xf32>
    %ge3A_471 = arith.constant 0.000000e+00 : f32
    %ge3A_472 = vector.broadcast %ge3A_471 : f32 to vector<160x160xf32>
    %ge3A_473 = arith.cmpf oge, %dot_general3A_470, %ge3A_472 : vector<160x160xf32>
    %mul3A_474 = arith.constant 2.000000e-01 : f32
    %mul3A_475 = vector.broadcast %mul3A_474 : f32 to vector<160x160xf32>
    %mul3A_476 = arith.mulf %mul3A_475, %dot_general3A_470 : vector<160x160xf32>
    %select_n3A_477 = arith.select %ge3A_473, %dot_general3A_470, %mul3A_476 : vector<160x160xi1>, vector<160x160xf32>
    %jit3A_478 = arith.constant 0xFF800000 : f32
    %broadcast_in_dim3A_479 = vector.broadcast %jit3A_478 : f32 to vector<160x160xf32>
    %select_n3A_480 = arith.select %eq3A, %select_n3A_477, %broadcast_in_dim3A_479 : vector<160x160xi1>, vector<160x160xf32>
    %reduce_max3A_481 = arith.constant dense<0xFF800000> : vector<160xf32>
    %reduce_max3A_482 = vector.multi_reduction <maximumf>, %select_n3A_480, %reduce_max3A_481 [0] : vector<160x160xf32> to vector<160xf32>
    %broadcast_in_dim3A_483 = vector.shape_cast %reduce_max3A_482 : vector<160xf32> to vector<1x160xf32>
    %sub3A_484 = vector.broadcast %broadcast_in_dim3A_483 : vector<1x160xf32> to vector<160x160xf32>
    %sub3A_485 = arith.subf %select_n3A_477, %sub3A_484 : vector<160x160xf32>
    %exp3A_486 = math.exp %sub3A_485 : vector<160x160xf32>
    %jit3A_487 = arith.constant 0.000000e+00 : f32
    %broadcast_in_dim3A_488 = vector.broadcast %jit3A_487 : f32 to vector<160x160xf32>
    %select_n3A_489 = arith.select %eq3A, %exp3A_486, %broadcast_in_dim3A_488 : vector<160x160xi1>, vector<160x160xf32>
    %reduce_sum3A_490 = arith.constant dense<0.000000e+00> : vector<160xf32>
    %reduce_sum3A_491 = vector.multi_reduction <add>, %select_n3A_489, %reduce_sum3A_490 [0] : vector<160x160xf32> to vector<160xf32>
    %broadcast_in_dim3A_492 = vector.shape_cast %reduce_sum3A_491 : vector<160xf32> to vector<1x160xf32>
    %div3A_493 = vector.broadcast %broadcast_in_dim3A_492 : vector<1x160xf32> to vector<160x160xf32>
    %div3A_494 = arith.divf %select_n3A_489, %div3A_493 : vector<160x160xf32>
    %dot_general3A_495 = arith.constant dense<0.000000e+00> : vector<160x128xf32>
    %dot_general3A_496 = tpu.matmul %div3A_494, %get3A_468, %dot_general3A_495 {dimension_numbers = #tpu.dot_dimension_numbers<[1], [0], [0], [1], [0, 0, 1, 1], [], []>, transpose_lhs_hint = false} : vector<160x160xf32>, vector<160x128xf32>, vector<160x128xf32> -> vector<160x128xf32>
    %gt3A_497 = arith.constant 0.000000e+00 : f32
    %gt3A_498 = vector.broadcast %gt3A_497 : f32 to vector<160x128xf32>
    %gt3A_499 = arith.cmpf ogt, %dot_general3A_496, %gt3A_498 : vector<160x128xf32>
    %min3A_500 = arith.constant 0.000000e+00 : f32
    %min3A_501 = vector.broadcast %min3A_500 : f32 to vector<160x128xf32>
    %min3A_502 = arith.minimumf %dot_general3A_496, %min3A_501 : vector<160x128xf32>
    %exp3A_503 = math.exp %min3A_502 : vector<160x128xf32>
    %sub3A_504 = arith.constant 1.000000e+00 : f32
    %sub3A_505 = vector.broadcast %sub3A_504 : f32 to vector<160x128xf32>
    %sub3A_506 = arith.subf %exp3A_503, %sub3A_505 : vector<160x128xf32>
    %select_n3A_507 = arith.select %gt3A_499, %dot_general3A_496, %sub3A_506 : vector<160x128xi1>, vector<160x128xf32>
    %reshape3A_508 = vector.shape_cast %select_n3A_507 : vector<160x128xf32> to vector<16x10x128xf32>
    %swap3A_509 = arith.constant 144 : index
    %swap3A_510 = arith.constant 0 : index
    %swap3A_511 = arith.constant 0 : index
    %swap3A_512 = vector.load %arg2[%swap3A_509, %swap3A_510, %swap3A_511] : memref<400x10x128xf32, #tpu.memory_space<vmem>>, vector<16x10x128xf32>
    tpu.vector_store %arg2[%swap3A_509, %swap3A_510, %swap3A_511], %reshape3A_508 {strides = array<i32>} : memref<400x10x128xf32, #tpu.memory_space<vmem>>, vector<16x10x128xf32>,
    %get3A_513 = arith.constant 1600 : index
    %get3A_514 = arith.constant 0 : index
    %get3A_515 = vector.load %arg1[%get3A_513, %get3A_514] : memref<4000x128xf32, #tpu.memory_space<vmem>>, vector<160x128xf32>
    %dot_general3A_516 = arith.constant dense<0.000000e+00> : vector<160x160xf32>
    %dot_general3A_517 = tpu.matmul %get3A_515, %get3A_515, %dot_general3A_516 {dimension_numbers = #tpu.dot_dimension_numbers<[1], [1], [0], [0], [0, 0, 1, 0], [], []>, transpose_lhs_hint = false} : vector<160x128xf32>, vector<160x128xf32>, vector<160x160xf32> -> vector<160x160xf32>
    %ge3A_518 = arith.constant 0.000000e+00 : f32
    %ge3A_519 = vector.broadcast %ge3A_518 : f32 to vector<160x160xf32>
    %ge3A_520 = arith.cmpf oge, %dot_general3A_517, %ge3A_519 : vector<160x160xf32>
    %mul3A_521 = arith.constant 2.000000e-01 : f32
    %mul3A_522 = vector.broadcast %mul3A_521 : f32 to vector<160x160xf32>
    %mul3A_523 = arith.mulf %mul3A_522, %dot_general3A_517 : vector<160x160xf32>
    %select_n3A_524 = arith.select %ge3A_520, %dot_general3A_517, %mul3A_523 : vector<160x160xi1>, vector<160x160xf32>
    %jit3A_525 = arith.constant 0xFF800000 : f32
    %broadcast_in_dim3A_526 = vector.broadcast %jit3A_525 : f32 to vector<160x160xf32>
    %select_n3A_527 = arith.select %eq3A, %select_n3A_524, %broadcast_in_dim3A_526 : vector<160x160xi1>, vector<160x160xf32>
    %reduce_max3A_528 = arith.constant dense<0xFF800000> : vector<160xf32>
    %reduce_max3A_529 = vector.multi_reduction <maximumf>, %select_n3A_527, %reduce_max3A_528 [0] : vector<160x160xf32> to vector<160xf32>
    %broadcast_in_dim3A_530 = vector.shape_cast %reduce_max3A_529 : vector<160xf32> to vector<1x160xf32>
    %sub3A_531 = vector.broadcast %broadcast_in_dim3A_530 : vector<1x160xf32> to vector<160x160xf32>
    %sub3A_532 = arith.subf %select_n3A_524, %sub3A_531 : vector<160x160xf32>
    %exp3A_533 = math.exp %sub3A_532 : vector<160x160xf32>
    %jit3A_534 = arith.constant 0.000000e+00 : f32
    %broadcast_in_dim3A_535 = vector.broadcast %jit3A_534 : f32 to vector<160x160xf32>
    %select_n3A_536 = arith.select %eq3A, %exp3A_533, %broadcast_in_dim3A_535 : vector<160x160xi1>, vector<160x160xf32>
    %reduce_sum3A_537 = arith.constant dense<0.000000e+00> : vector<160xf32>
    %reduce_sum3A_538 = vector.multi_reduction <add>, %select_n3A_536, %reduce_sum3A_537 [0] : vector<160x160xf32> to vector<160xf32>
    %broadcast_in_dim3A_539 = vector.shape_cast %reduce_sum3A_538 : vector<160xf32> to vector<1x160xf32>
    %div3A_540 = vector.broadcast %broadcast_in_dim3A_539 : vector<1x160xf32> to vector<160x160xf32>
    %div3A_541 = arith.divf %select_n3A_536, %div3A_540 : vector<160x160xf32>
    %dot_general3A_542 = arith.constant dense<0.000000e+00> : vector<160x128xf32>
    %dot_general3A_543 = tpu.matmul %div3A_541, %get3A_515, %dot_general3A_542 {dimension_numbers = #tpu.dot_dimension_numbers<[1], [0], [0], [1], [0, 0, 1, 1], [], []>, transpose_lhs_hint = false} : vector<160x160xf32>, vector<160x128xf32>, vector<160x128xf32> -> vector<160x128xf32>
    %gt3A_544 = arith.constant 0.000000e+00 : f32
    %gt3A_545 = vector.broadcast %gt3A_544 : f32 to vector<160x128xf32>
    %gt3A_546 = arith.cmpf ogt, %dot_general3A_543, %gt3A_545 : vector<160x128xf32>
    %min3A_547 = arith.constant 0.000000e+00 : f32
    %min3A_548 = vector.broadcast %min3A_547 : f32 to vector<160x128xf32>
    %min3A_549 = arith.minimumf %dot_general3A_543, %min3A_548 : vector<160x128xf32>
    %exp3A_550 = math.exp %min3A_549 : vector<160x128xf32>
    %sub3A_551 = arith.constant 1.000000e+00 : f32
    %sub3A_552 = vector.broadcast %sub3A_551 : f32 to vector<160x128xf32>
    %sub3A_553 = arith.subf %exp3A_550, %sub3A_552 : vector<160x128xf32>
    %select_n3A_554 = arith.select %gt3A_546, %dot_general3A_543, %sub3A_553 : vector<160x128xi1>, vector<160x128xf32>
    %reshape3A_555 = vector.shape_cast %select_n3A_554 : vector<160x128xf32> to vector<16x10x128xf32>
    %swap3A_556 = arith.constant 160 : index
    %swap3A_557 = arith.constant 0 : index
    %swap3A_558 = arith.constant 0 : index
    %swap3A_559 = vector.load %arg2[%swap3A_556, %swap3A_557, %swap3A_558] : memref<400x10x128xf32, #tpu.memory_space<vmem>>, vector<16x10x128xf32>
    tpu.vector_store %arg2[%swap3A_556, %swap3A_557, %swap3A_558], %reshape3A_555 {strides = array<i32>} : memref<400x10x128xf32, #tpu.memory_space<vmem>>, vector<16x10x128xf32>,
    %get3A_560 = arith.constant 1760 : index
    %get3A_561 = arith.constant 0 : index
    %get3A_562 = vector.load %arg1[%get3A_560, %get3A_561] : memref<4000x128xf32, #tpu.memory_space<vmem>>, vector<160x128xf32>
    %dot_general3A_563 = arith.constant dense<0.000000e+00> : vector<160x160xf32>
    %dot_general3A_564 = tpu.matmul %get3A_562, %get3A_562, %dot_general3A_563 {dimension_numbers = #tpu.dot_dimension_numbers<[1], [1], [0], [0], [0, 0, 1, 0], [], []>, transpose_lhs_hint = false} : vector<160x128xf32>, vector<160x128xf32>, vector<160x160xf32> -> vector<160x160xf32>
    %ge3A_565 = arith.constant 0.000000e+00 : f32
    %ge3A_566 = vector.broadcast %ge3A_565 : f32 to vector<160x160xf32>
    %ge3A_567 = arith.cmpf oge, %dot_general3A_564, %ge3A_566 : vector<160x160xf32>
    %mul3A_568 = arith.constant 2.000000e-01 : f32
    %mul3A_569 = vector.broadcast %mul3A_568 : f32 to vector<160x160xf32>
    %mul3A_570 = arith.mulf %mul3A_569, %dot_general3A_564 : vector<160x160xf32>
    %select_n3A_571 = arith.select %ge3A_567, %dot_general3A_564, %mul3A_570 : vector<160x160xi1>, vector<160x160xf32>
    %jit3A_572 = arith.constant 0xFF800000 : f32
    %broadcast_in_dim3A_573 = vector.broadcast %jit3A_572 : f32 to vector<160x160xf32>
    %select_n3A_574 = arith.select %eq3A, %select_n3A_571, %broadcast_in_dim3A_573 : vector<160x160xi1>, vector<160x160xf32>
    %reduce_max3A_575 = arith.constant dense<0xFF800000> : vector<160xf32>
    %reduce_max3A_576 = vector.multi_reduction <maximumf>, %select_n3A_574, %reduce_max3A_575 [0] : vector<160x160xf32> to vector<160xf32>
    %broadcast_in_dim3A_577 = vector.shape_cast %reduce_max3A_576 : vector<160xf32> to vector<1x160xf32>
    %sub3A_578 = vector.broadcast %broadcast_in_dim3A_577 : vector<1x160xf32> to vector<160x160xf32>
    %sub3A_579 = arith.subf %select_n3A_571, %sub3A_578 : vector<160x160xf32>
    %exp3A_580 = math.exp %sub3A_579 : vector<160x160xf32>
    %jit3A_581 = arith.constant 0.000000e+00 : f32
    %broadcast_in_dim3A_582 = vector.broadcast %jit3A_581 : f32 to vector<160x160xf32>
    %select_n3A_583 = arith.select %eq3A, %exp3A_580, %broadcast_in_dim3A_582 : vector<160x160xi1>, vector<160x160xf32>
    %reduce_sum3A_584 = arith.constant dense<0.000000e+00> : vector<160xf32>
    %reduce_sum3A_585 = vector.multi_reduction <add>, %select_n3A_583, %reduce_sum3A_584 [0] : vector<160x160xf32> to vector<160xf32>
    %broadcast_in_dim3A_586 = vector.shape_cast %reduce_sum3A_585 : vector<160xf32> to vector<1x160xf32>
    %div3A_587 = vector.broadcast %broadcast_in_dim3A_586 : vector<1x160xf32> to vector<160x160xf32>
    %div3A_588 = arith.divf %select_n3A_583, %div3A_587 : vector<160x160xf32>
    %dot_general3A_589 = arith.constant dense<0.000000e+00> : vector<160x128xf32>
    %dot_general3A_590 = tpu.matmul %div3A_588, %get3A_562, %dot_general3A_589 {dimension_numbers = #tpu.dot_dimension_numbers<[1], [0], [0], [1], [0, 0, 1, 1], [], []>, transpose_lhs_hint = false} : vector<160x160xf32>, vector<160x128xf32>, vector<160x128xf32> -> vector<160x128xf32>
    %gt3A_591 = arith.constant 0.000000e+00 : f32
    %gt3A_592 = vector.broadcast %gt3A_591 : f32 to vector<160x128xf32>
    %gt3A_593 = arith.cmpf ogt, %dot_general3A_590, %gt3A_592 : vector<160x128xf32>
    %min3A_594 = arith.constant 0.000000e+00 : f32
    %min3A_595 = vector.broadcast %min3A_594 : f32 to vector<160x128xf32>
    %min3A_596 = arith.minimumf %dot_general3A_590, %min3A_595 : vector<160x128xf32>
    %exp3A_597 = math.exp %min3A_596 : vector<160x128xf32>
    %sub3A_598 = arith.constant 1.000000e+00 : f32
    %sub3A_599 = vector.broadcast %sub3A_598 : f32 to vector<160x128xf32>
    %sub3A_600 = arith.subf %exp3A_597, %sub3A_599 : vector<160x128xf32>
    %select_n3A_601 = arith.select %gt3A_593, %dot_general3A_590, %sub3A_600 : vector<160x128xi1>, vector<160x128xf32>
    %reshape3A_602 = vector.shape_cast %select_n3A_601 : vector<160x128xf32> to vector<16x10x128xf32>
    %swap3A_603 = arith.constant 176 : index
    %swap3A_604 = arith.constant 0 : index
    %swap3A_605 = arith.constant 0 : index
    %swap3A_606 = vector.load %arg2[%swap3A_603, %swap3A_604, %swap3A_605] : memref<400x10x128xf32, #tpu.memory_space<vmem>>, vector<16x10x128xf32>
    tpu.vector_store %arg2[%swap3A_603, %swap3A_604, %swap3A_605], %reshape3A_602 {strides = array<i32>} : memref<400x10x128xf32, #tpu.memory_space<vmem>>, vector<16x10x128xf32>,
    %get3A_607 = arith.constant 1920 : index
    %get3A_608 = arith.constant 0 : index
    %get3A_609 = vector.load %arg1[%get3A_607, %get3A_608] : memref<4000x128xf32, #tpu.memory_space<vmem>>, vector<160x128xf32>
    %dot_general3A_610 = arith.constant dense<0.000000e+00> : vector<160x160xf32>
    %dot_general3A_611 = tpu.matmul %get3A_609, %get3A_609, %dot_general3A_610 {dimension_numbers = #tpu.dot_dimension_numbers<[1], [1], [0], [0], [0, 0, 1, 0], [], []>, transpose_lhs_hint = false} : vector<160x128xf32>, vector<160x128xf32>, vector<160x160xf32> -> vector<160x160xf32>
    %ge3A_612 = arith.constant 0.000000e+00 : f32
    %ge3A_613 = vector.broadcast %ge3A_612 : f32 to vector<160x160xf32>
    %ge3A_614 = arith.cmpf oge, %dot_general3A_611, %ge3A_613 : vector<160x160xf32>
    %mul3A_615 = arith.constant 2.000000e-01 : f32
    %mul3A_616 = vector.broadcast %mul3A_615 : f32 to vector<160x160xf32>
    %mul3A_617 = arith.mulf %mul3A_616, %dot_general3A_611 : vector<160x160xf32>
    %select_n3A_618 = arith.select %ge3A_614, %dot_general3A_611, %mul3A_617 : vector<160x160xi1>, vector<160x160xf32>
    %jit3A_619 = arith.constant 0xFF800000 : f32
    %broadcast_in_dim3A_620 = vector.broadcast %jit3A_619 : f32 to vector<160x160xf32>
    %select_n3A_621 = arith.select %eq3A, %select_n3A_618, %broadcast_in_dim3A_620 : vector<160x160xi1>, vector<160x160xf32>
    %reduce_max3A_622 = arith.constant dense<0xFF800000> : vector<160xf32>
    %reduce_max3A_623 = vector.multi_reduction <maximumf>, %select_n3A_621, %reduce_max3A_622 [0] : vector<160x160xf32> to vector<160xf32>
    %broadcast_in_dim3A_624 = vector.shape_cast %reduce_max3A_623 : vector<160xf32> to vector<1x160xf32>
    %sub3A_625 = vector.broadcast %broadcast_in_dim3A_624 : vector<1x160xf32> to vector<160x160xf32>
    %sub3A_626 = arith.subf %select_n3A_618, %sub3A_625 : vector<160x160xf32>
    %exp3A_627 = math.exp %sub3A_626 : vector<160x160xf32>
    %jit3A_628 = arith.constant 0.000000e+00 : f32
    %broadcast_in_dim3A_629 = vector.broadcast %jit3A_628 : f32 to vector<160x160xf32>
    %select_n3A_630 = arith.select %eq3A, %exp3A_627, %broadcast_in_dim3A_629 : vector<160x160xi1>, vector<160x160xf32>
    %reduce_sum3A_631 = arith.constant dense<0.000000e+00> : vector<160xf32>
    %reduce_sum3A_632 = vector.multi_reduction <add>, %select_n3A_630, %reduce_sum3A_631 [0] : vector<160x160xf32> to vector<160xf32>
    %broadcast_in_dim3A_633 = vector.shape_cast %reduce_sum3A_632 : vector<160xf32> to vector<1x160xf32>
    %div3A_634 = vector.broadcast %broadcast_in_dim3A_633 : vector<1x160xf32> to vector<160x160xf32>
    %div3A_635 = arith.divf %select_n3A_630, %div3A_634 : vector<160x160xf32>
    %dot_general3A_636 = arith.constant dense<0.000000e+00> : vector<160x128xf32>
    %dot_general3A_637 = tpu.matmul %div3A_635, %get3A_609, %dot_general3A_636 {dimension_numbers = #tpu.dot_dimension_numbers<[1], [0], [0], [1], [0, 0, 1, 1], [], []>, transpose_lhs_hint = false} : vector<160x160xf32>, vector<160x128xf32>, vector<160x128xf32> -> vector<160x128xf32>
    %gt3A_638 = arith.constant 0.000000e+00 : f32
    %gt3A_639 = vector.broadcast %gt3A_638 : f32 to vector<160x128xf32>
    %gt3A_640 = arith.cmpf ogt, %dot_general3A_637, %gt3A_639 : vector<160x128xf32>
    %min3A_641 = arith.constant 0.000000e+00 : f32
    %min3A_642 = vector.broadcast %min3A_641 : f32 to vector<160x128xf32>
    %min3A_643 = arith.minimumf %dot_general3A_637, %min3A_642 : vector<160x128xf32>
    %exp3A_644 = math.exp %min3A_643 : vector<160x128xf32>
    %sub3A_645 = arith.constant 1.000000e+00 : f32
    %sub3A_646 = vector.broadcast %sub3A_645 : f32 to vector<160x128xf32>
    %sub3A_647 = arith.subf %exp3A_644, %sub3A_646 : vector<160x128xf32>
    %select_n3A_648 = arith.select %gt3A_640, %dot_general3A_637, %sub3A_647 : vector<160x128xi1>, vector<160x128xf32>
    %reshape3A_649 = vector.shape_cast %select_n3A_648 : vector<160x128xf32> to vector<16x10x128xf32>
    %swap3A_650 = arith.constant 192 : index
    %swap3A_651 = arith.constant 0 : index
    %swap3A_652 = arith.constant 0 : index
    %swap3A_653 = vector.load %arg2[%swap3A_650, %swap3A_651, %swap3A_652] : memref<400x10x128xf32, #tpu.memory_space<vmem>>, vector<16x10x128xf32>
    tpu.vector_store %arg2[%swap3A_650, %swap3A_651, %swap3A_652], %reshape3A_649 {strides = array<i32>} : memref<400x10x128xf32, #tpu.memory_space<vmem>>, vector<16x10x128xf32>,
    %get3A_654 = arith.constant 2080 : index
    %get3A_655 = arith.constant 0 : index
    %get3A_656 = vector.load %arg1[%get3A_654, %get3A_655] : memref<4000x128xf32, #tpu.memory_space<vmem>>, vector<160x128xf32>
    %dot_general3A_657 = arith.constant dense<0.000000e+00> : vector<160x160xf32>
    %dot_general3A_658 = tpu.matmul %get3A_656, %get3A_656, %dot_general3A_657 {dimension_numbers = #tpu.dot_dimension_numbers<[1], [1], [0], [0], [0, 0, 1, 0], [], []>, transpose_lhs_hint = false} : vector<160x128xf32>, vector<160x128xf32>, vector<160x160xf32> -> vector<160x160xf32>
    %ge3A_659 = arith.constant 0.000000e+00 : f32
    %ge3A_660 = vector.broadcast %ge3A_659 : f32 to vector<160x160xf32>
    %ge3A_661 = arith.cmpf oge, %dot_general3A_658, %ge3A_660 : vector<160x160xf32>
    %mul3A_662 = arith.constant 2.000000e-01 : f32
    %mul3A_663 = vector.broadcast %mul3A_662 : f32 to vector<160x160xf32>
    %mul3A_664 = arith.mulf %mul3A_663, %dot_general3A_658 : vector<160x160xf32>
    %select_n3A_665 = arith.select %ge3A_661, %dot_general3A_658, %mul3A_664 : vector<160x160xi1>, vector<160x160xf32>
    %jit3A_666 = arith.constant 0xFF800000 : f32
    %broadcast_in_dim3A_667 = vector.broadcast %jit3A_666 : f32 to vector<160x160xf32>
    %select_n3A_668 = arith.select %eq3A, %select_n3A_665, %broadcast_in_dim3A_667 : vector<160x160xi1>, vector<160x160xf32>
    %reduce_max3A_669 = arith.constant dense<0xFF800000> : vector<160xf32>
    %reduce_max3A_670 = vector.multi_reduction <maximumf>, %select_n3A_668, %reduce_max3A_669 [0] : vector<160x160xf32> to vector<160xf32>
    %broadcast_in_dim3A_671 = vector.shape_cast %reduce_max3A_670 : vector<160xf32> to vector<1x160xf32>
    %sub3A_672 = vector.broadcast %broadcast_in_dim3A_671 : vector<1x160xf32> to vector<160x160xf32>
    %sub3A_673 = arith.subf %select_n3A_665, %sub3A_672 : vector<160x160xf32>
    %exp3A_674 = math.exp %sub3A_673 : vector<160x160xf32>
    %jit3A_675 = arith.constant 0.000000e+00 : f32
    %broadcast_in_dim3A_676 = vector.broadcast %jit3A_675 : f32 to vector<160x160xf32>
    %select_n3A_677 = arith.select %eq3A, %exp3A_674, %broadcast_in_dim3A_676 : vector<160x160xi1>, vector<160x160xf32>
    %reduce_sum3A_678 = arith.constant dense<0.000000e+00> : vector<160xf32>
    %reduce_sum3A_679 = vector.multi_reduction <add>, %select_n3A_677, %reduce_sum3A_678 [0] : vector<160x160xf32> to vector<160xf32>
    %broadcast_in_dim3A_680 = vector.shape_cast %reduce_sum3A_679 : vector<160xf32> to vector<1x160xf32>
    %div3A_681 = vector.broadcast %broadcast_in_dim3A_680 : vector<1x160xf32> to vector<160x160xf32>
    %div3A_682 = arith.divf %select_n3A_677, %div3A_681 : vector<160x160xf32>
    %dot_general3A_683 = arith.constant dense<0.000000e+00> : vector<160x128xf32>
    %dot_general3A_684 = tpu.matmul %div3A_682, %get3A_656, %dot_general3A_683 {dimension_numbers = #tpu.dot_dimension_numbers<[1], [0], [0], [1], [0, 0, 1, 1], [], []>, transpose_lhs_hint = false} : vector<160x160xf32>, vector<160x128xf32>, vector<160x128xf32> -> vector<160x128xf32>
    %gt3A_685 = arith.constant 0.000000e+00 : f32
    %gt3A_686 = vector.broadcast %gt3A_685 : f32 to vector<160x128xf32>
    %gt3A_687 = arith.cmpf ogt, %dot_general3A_684, %gt3A_686 : vector<160x128xf32>
    %min3A_688 = arith.constant 0.000000e+00 : f32
    %min3A_689 = vector.broadcast %min3A_688 : f32 to vector<160x128xf32>
    %min3A_690 = arith.minimumf %dot_general3A_684, %min3A_689 : vector<160x128xf32>
    %exp3A_691 = math.exp %min3A_690 : vector<160x128xf32>
    %sub3A_692 = arith.constant 1.000000e+00 : f32
    %sub3A_693 = vector.broadcast %sub3A_692 : f32 to vector<160x128xf32>
    %sub3A_694 = arith.subf %exp3A_691, %sub3A_693 : vector<160x128xf32>
    %select_n3A_695 = arith.select %gt3A_687, %dot_general3A_684, %sub3A_694 : vector<160x128xi1>, vector<160x128xf32>
    %reshape3A_696 = vector.shape_cast %select_n3A_695 : vector<160x128xf32> to vector<16x10x128xf32>
    %swap3A_697 = arith.constant 208 : index
    %swap3A_698 = arith.constant 0 : index
    %swap3A_699 = arith.constant 0 : index
    %swap3A_700 = vector.load %arg2[%swap3A_697, %swap3A_698, %swap3A_699] : memref<400x10x128xf32, #tpu.memory_space<vmem>>, vector<16x10x128xf32>
    tpu.vector_store %arg2[%swap3A_697, %swap3A_698, %swap3A_699], %reshape3A_696 {strides = array<i32>} : memref<400x10x128xf32, #tpu.memory_space<vmem>>, vector<16x10x128xf32>,
    %get3A_701 = arith.constant 2240 : index
    %get3A_702 = arith.constant 0 : index
    %get3A_703 = vector.load %arg1[%get3A_701, %get3A_702] : memref<4000x128xf32, #tpu.memory_space<vmem>>, vector<160x128xf32>
    %dot_general3A_704 = arith.constant dense<0.000000e+00> : vector<160x160xf32>
    %dot_general3A_705 = tpu.matmul %get3A_703, %get3A_703, %dot_general3A_704 {dimension_numbers = #tpu.dot_dimension_numbers<[1], [1], [0], [0], [0, 0, 1, 0], [], []>, transpose_lhs_hint = false} : vector<160x128xf32>, vector<160x128xf32>, vector<160x160xf32> -> vector<160x160xf32>
    %ge3A_706 = arith.constant 0.000000e+00 : f32
    %ge3A_707 = vector.broadcast %ge3A_706 : f32 to vector<160x160xf32>
    %ge3A_708 = arith.cmpf oge, %dot_general3A_705, %ge3A_707 : vector<160x160xf32>
    %mul3A_709 = arith.constant 2.000000e-01 : f32
    %mul3A_710 = vector.broadcast %mul3A_709 : f32 to vector<160x160xf32>
    %mul3A_711 = arith.mulf %mul3A_710, %dot_general3A_705 : vector<160x160xf32>
    %select_n3A_712 = arith.select %ge3A_708, %dot_general3A_705, %mul3A_711 : vector<160x160xi1>, vector<160x160xf32>
    %jit3A_713 = arith.constant 0xFF800000 : f32
    %broadcast_in_dim3A_714 = vector.broadcast %jit3A_713 : f32 to vector<160x160xf32>
    %select_n3A_715 = arith.select %eq3A, %select_n3A_712, %broadcast_in_dim3A_714 : vector<160x160xi1>, vector<160x160xf32>
    %reduce_max3A_716 = arith.constant dense<0xFF800000> : vector<160xf32>
    %reduce_max3A_717 = vector.multi_reduction <maximumf>, %select_n3A_715, %reduce_max3A_716 [0] : vector<160x160xf32> to vector<160xf32>
    %broadcast_in_dim3A_718 = vector.shape_cast %reduce_max3A_717 : vector<160xf32> to vector<1x160xf32>
    %sub3A_719 = vector.broadcast %broadcast_in_dim3A_718 : vector<1x160xf32> to vector<160x160xf32>
    %sub3A_720 = arith.subf %select_n3A_712, %sub3A_719 : vector<160x160xf32>
    %exp3A_721 = math.exp %sub3A_720 : vector<160x160xf32>
    %jit3A_722 = arith.constant 0.000000e+00 : f32
    %broadcast_in_dim3A_723 = vector.broadcast %jit3A_722 : f32 to vector<160x160xf32>
    %select_n3A_724 = arith.select %eq3A, %exp3A_721, %broadcast_in_dim3A_723 : vector<160x160xi1>, vector<160x160xf32>
    %reduce_sum3A_725 = arith.constant dense<0.000000e+00> : vector<160xf32>
    %reduce_sum3A_726 = vector.multi_reduction <add>, %select_n3A_724, %reduce_sum3A_725 [0] : vector<160x160xf32> to vector<160xf32>
    %broadcast_in_dim3A_727 = vector.shape_cast %reduce_sum3A_726 : vector<160xf32> to vector<1x160xf32>
    %div3A_728 = vector.broadcast %broadcast_in_dim3A_727 : vector<1x160xf32> to vector<160x160xf32>
    %div3A_729 = arith.divf %select_n3A_724, %div3A_728 : vector<160x160xf32>
    %dot_general3A_730 = arith.constant dense<0.000000e+00> : vector<160x128xf32>
    %dot_general3A_731 = tpu.matmul %div3A_729, %get3A_703, %dot_general3A_730 {dimension_numbers = #tpu.dot_dimension_numbers<[1], [0], [0], [1], [0, 0, 1, 1], [], []>, transpose_lhs_hint = false} : vector<160x160xf32>, vector<160x128xf32>, vector<160x128xf32> -> vector<160x128xf32>
    %gt3A_732 = arith.constant 0.000000e+00 : f32
    %gt3A_733 = vector.broadcast %gt3A_732 : f32 to vector<160x128xf32>
    %gt3A_734 = arith.cmpf ogt, %dot_general3A_731, %gt3A_733 : vector<160x128xf32>
    %min3A_735 = arith.constant 0.000000e+00 : f32
    %min3A_736 = vector.broadcast %min3A_735 : f32 to vector<160x128xf32>
    %min3A_737 = arith.minimumf %dot_general3A_731, %min3A_736 : vector<160x128xf32>
    %exp3A_738 = math.exp %min3A_737 : vector<160x128xf32>
    %sub3A_739 = arith.constant 1.000000e+00 : f32
    %sub3A_740 = vector.broadcast %sub3A_739 : f32 to vector<160x128xf32>
    %sub3A_741 = arith.subf %exp3A_738, %sub3A_740 : vector<160x128xf32>
    %select_n3A_742 = arith.select %gt3A_734, %dot_general3A_731, %sub3A_741 : vector<160x128xi1>, vector<160x128xf32>
    %reshape3A_743 = vector.shape_cast %select_n3A_742 : vector<160x128xf32> to vector<16x10x128xf32>
    %swap3A_744 = arith.constant 224 : index
    %swap3A_745 = arith.constant 0 : index
    %swap3A_746 = arith.constant 0 : index
    %swap3A_747 = vector.load %arg2[%swap3A_744, %swap3A_745, %swap3A_746] : memref<400x10x128xf32, #tpu.memory_space<vmem>>, vector<16x10x128xf32>
    tpu.vector_store %arg2[%swap3A_744, %swap3A_745, %swap3A_746], %reshape3A_743 {strides = array<i32>} : memref<400x10x128xf32, #tpu.memory_space<vmem>>, vector<16x10x128xf32>,
    %get3A_748 = arith.constant 2400 : index
    %get3A_749 = arith.constant 0 : index
    %get3A_750 = vector.load %arg1[%get3A_748, %get3A_749] : memref<4000x128xf32, #tpu.memory_space<vmem>>, vector<160x128xf32>
    %dot_general3A_751 = arith.constant dense<0.000000e+00> : vector<160x160xf32>
    %dot_general3A_752 = tpu.matmul %get3A_750, %get3A_750, %dot_general3A_751 {dimension_numbers = #tpu.dot_dimension_numbers<[1], [1], [0], [0], [0, 0, 1, 0], [], []>, transpose_lhs_hint = false} : vector<160x128xf32>, vector<160x128xf32>, vector<160x160xf32> -> vector<160x160xf32>
    %ge3A_753 = arith.constant 0.000000e+00 : f32
    %ge3A_754 = vector.broadcast %ge3A_753 : f32 to vector<160x160xf32>
    %ge3A_755 = arith.cmpf oge, %dot_general3A_752, %ge3A_754 : vector<160x160xf32>
    %mul3A_756 = arith.constant 2.000000e-01 : f32
    %mul3A_757 = vector.broadcast %mul3A_756 : f32 to vector<160x160xf32>
    %mul3A_758 = arith.mulf %mul3A_757, %dot_general3A_752 : vector<160x160xf32>
    %select_n3A_759 = arith.select %ge3A_755, %dot_general3A_752, %mul3A_758 : vector<160x160xi1>, vector<160x160xf32>
    %jit3A_760 = arith.constant 0xFF800000 : f32
    %broadcast_in_dim3A_761 = vector.broadcast %jit3A_760 : f32 to vector<160x160xf32>
    %select_n3A_762 = arith.select %eq3A, %select_n3A_759, %broadcast_in_dim3A_761 : vector<160x160xi1>, vector<160x160xf32>
    %reduce_max3A_763 = arith.constant dense<0xFF800000> : vector<160xf32>
    %reduce_max3A_764 = vector.multi_reduction <maximumf>, %select_n3A_762, %reduce_max3A_763 [0] : vector<160x160xf32> to vector<160xf32>
    %broadcast_in_dim3A_765 = vector.shape_cast %reduce_max3A_764 : vector<160xf32> to vector<1x160xf32>
    %sub3A_766 = vector.broadcast %broadcast_in_dim3A_765 : vector<1x160xf32> to vector<160x160xf32>
    %sub3A_767 = arith.subf %select_n3A_759, %sub3A_766 : vector<160x160xf32>
    %exp3A_768 = math.exp %sub3A_767 : vector<160x160xf32>
    %jit3A_769 = arith.constant 0.000000e+00 : f32
    %broadcast_in_dim3A_770 = vector.broadcast %jit3A_769 : f32 to vector<160x160xf32>
    %select_n3A_771 = arith.select %eq3A, %exp3A_768, %broadcast_in_dim3A_770 : vector<160x160xi1>, vector<160x160xf32>
    %reduce_sum3A_772 = arith.constant dense<0.000000e+00> : vector<160xf32>
    %reduce_sum3A_773 = vector.multi_reduction <add>, %select_n3A_771, %reduce_sum3A_772 [0] : vector<160x160xf32> to vector<160xf32>
    %broadcast_in_dim3A_774 = vector.shape_cast %reduce_sum3A_773 : vector<160xf32> to vector<1x160xf32>
    %div3A_775 = vector.broadcast %broadcast_in_dim3A_774 : vector<1x160xf32> to vector<160x160xf32>
    %div3A_776 = arith.divf %select_n3A_771, %div3A_775 : vector<160x160xf32>
    %dot_general3A_777 = arith.constant dense<0.000000e+00> : vector<160x128xf32>
    %dot_general3A_778 = tpu.matmul %div3A_776, %get3A_750, %dot_general3A_777 {dimension_numbers = #tpu.dot_dimension_numbers<[1], [0], [0], [1], [0, 0, 1, 1], [], []>, transpose_lhs_hint = false} : vector<160x160xf32>, vector<160x128xf32>, vector<160x128xf32> -> vector<160x128xf32>
    %gt3A_779 = arith.constant 0.000000e+00 : f32
    %gt3A_780 = vector.broadcast %gt3A_779 : f32 to vector<160x128xf32>
    %gt3A_781 = arith.cmpf ogt, %dot_general3A_778, %gt3A_780 : vector<160x128xf32>
    %min3A_782 = arith.constant 0.000000e+00 : f32
    %min3A_783 = vector.broadcast %min3A_782 : f32 to vector<160x128xf32>
    %min3A_784 = arith.minimumf %dot_general3A_778, %min3A_783 : vector<160x128xf32>
    %exp3A_785 = math.exp %min3A_784 : vector<160x128xf32>
    %sub3A_786 = arith.constant 1.000000e+00 : f32
    %sub3A_787 = vector.broadcast %sub3A_786 : f32 to vector<160x128xf32>
    %sub3A_788 = arith.subf %exp3A_785, %sub3A_787 : vector<160x128xf32>
    %select_n3A_789 = arith.select %gt3A_781, %dot_general3A_778, %sub3A_788 : vector<160x128xi1>, vector<160x128xf32>
    %reshape3A_790 = vector.shape_cast %select_n3A_789 : vector<160x128xf32> to vector<16x10x128xf32>
    %swap3A_791 = arith.constant 240 : index
    %swap3A_792 = arith.constant 0 : index
    %swap3A_793 = arith.constant 0 : index
    %swap3A_794 = vector.load %arg2[%swap3A_791, %swap3A_792, %swap3A_793] : memref<400x10x128xf32, #tpu.memory_space<vmem>>, vector<16x10x128xf32>
    tpu.vector_store %arg2[%swap3A_791, %swap3A_792, %swap3A_793], %reshape3A_790 {strides = array<i32>} : memref<400x10x128xf32, #tpu.memory_space<vmem>>, vector<16x10x128xf32>,
    %get3A_795 = arith.constant 2560 : index
    %get3A_796 = arith.constant 0 : index
    %get3A_797 = vector.load %arg1[%get3A_795, %get3A_796] : memref<4000x128xf32, #tpu.memory_space<vmem>>, vector<160x128xf32>
    %dot_general3A_798 = arith.constant dense<0.000000e+00> : vector<160x160xf32>
    %dot_general3A_799 = tpu.matmul %get3A_797, %get3A_797, %dot_general3A_798 {dimension_numbers = #tpu.dot_dimension_numbers<[1], [1], [0], [0], [0, 0, 1, 0], [], []>, transpose_lhs_hint = false} : vector<160x128xf32>, vector<160x128xf32>, vector<160x160xf32> -> vector<160x160xf32>
    %ge3A_800 = arith.constant 0.000000e+00 : f32
    %ge3A_801 = vector.broadcast %ge3A_800 : f32 to vector<160x160xf32>
    %ge3A_802 = arith.cmpf oge, %dot_general3A_799, %ge3A_801 : vector<160x160xf32>
    %mul3A_803 = arith.constant 2.000000e-01 : f32
    %mul3A_804 = vector.broadcast %mul3A_803 : f32 to vector<160x160xf32>
    %mul3A_805 = arith.mulf %mul3A_804, %dot_general3A_799 : vector<160x160xf32>
    %select_n3A_806 = arith.select %ge3A_802, %dot_general3A_799, %mul3A_805 : vector<160x160xi1>, vector<160x160xf32>
    %jit3A_807 = arith.constant 0xFF800000 : f32
    %broadcast_in_dim3A_808 = vector.broadcast %jit3A_807 : f32 to vector<160x160xf32>
    %select_n3A_809 = arith.select %eq3A, %select_n3A_806, %broadcast_in_dim3A_808 : vector<160x160xi1>, vector<160x160xf32>
    %reduce_max3A_810 = arith.constant dense<0xFF800000> : vector<160xf32>
    %reduce_max3A_811 = vector.multi_reduction <maximumf>, %select_n3A_809, %reduce_max3A_810 [0] : vector<160x160xf32> to vector<160xf32>
    %broadcast_in_dim3A_812 = vector.shape_cast %reduce_max3A_811 : vector<160xf32> to vector<1x160xf32>
    %sub3A_813 = vector.broadcast %broadcast_in_dim3A_812 : vector<1x160xf32> to vector<160x160xf32>
    %sub3A_814 = arith.subf %select_n3A_806, %sub3A_813 : vector<160x160xf32>
    %exp3A_815 = math.exp %sub3A_814 : vector<160x160xf32>
    %jit3A_816 = arith.constant 0.000000e+00 : f32
    %broadcast_in_dim3A_817 = vector.broadcast %jit3A_816 : f32 to vector<160x160xf32>
    %select_n3A_818 = arith.select %eq3A, %exp3A_815, %broadcast_in_dim3A_817 : vector<160x160xi1>, vector<160x160xf32>
    %reduce_sum3A_819 = arith.constant dense<0.000000e+00> : vector<160xf32>
    %reduce_sum3A_820 = vector.multi_reduction <add>, %select_n3A_818, %reduce_sum3A_819 [0] : vector<160x160xf32> to vector<160xf32>
    %broadcast_in_dim3A_821 = vector.shape_cast %reduce_sum3A_820 : vector<160xf32> to vector<1x160xf32>
    %div3A_822 = vector.broadcast %broadcast_in_dim3A_821 : vector<1x160xf32> to vector<160x160xf32>
    %div3A_823 = arith.divf %select_n3A_818, %div3A_822 : vector<160x160xf32>
    %dot_general3A_824 = arith.constant dense<0.000000e+00> : vector<160x128xf32>
    %dot_general3A_825 = tpu.matmul %div3A_823, %get3A_797, %dot_general3A_824 {dimension_numbers = #tpu.dot_dimension_numbers<[1], [0], [0], [1], [0, 0, 1, 1], [], []>, transpose_lhs_hint = false} : vector<160x160xf32>, vector<160x128xf32>, vector<160x128xf32> -> vector<160x128xf32>
    %gt3A_826 = arith.constant 0.000000e+00 : f32
    %gt3A_827 = vector.broadcast %gt3A_826 : f32 to vector<160x128xf32>
    %gt3A_828 = arith.cmpf ogt, %dot_general3A_825, %gt3A_827 : vector<160x128xf32>
    %min3A_829 = arith.constant 0.000000e+00 : f32
    %min3A_830 = vector.broadcast %min3A_829 : f32 to vector<160x128xf32>
    %min3A_831 = arith.minimumf %dot_general3A_825, %min3A_830 : vector<160x128xf32>
    %exp3A_832 = math.exp %min3A_831 : vector<160x128xf32>
    %sub3A_833 = arith.constant 1.000000e+00 : f32
    %sub3A_834 = vector.broadcast %sub3A_833 : f32 to vector<160x128xf32>
    %sub3A_835 = arith.subf %exp3A_832, %sub3A_834 : vector<160x128xf32>
    %select_n3A_836 = arith.select %gt3A_828, %dot_general3A_825, %sub3A_835 : vector<160x128xi1>, vector<160x128xf32>
    %reshape3A_837 = vector.shape_cast %select_n3A_836 : vector<160x128xf32> to vector<16x10x128xf32>
    %swap3A_838 = arith.constant 256 : index
    %swap3A_839 = arith.constant 0 : index
    %swap3A_840 = arith.constant 0 : index
    %swap3A_841 = vector.load %arg2[%swap3A_838, %swap3A_839, %swap3A_840] : memref<400x10x128xf32, #tpu.memory_space<vmem>>, vector<16x10x128xf32>
    tpu.vector_store %arg2[%swap3A_838, %swap3A_839, %swap3A_840], %reshape3A_837 {strides = array<i32>} : memref<400x10x128xf32, #tpu.memory_space<vmem>>, vector<16x10x128xf32>,
    %get3A_842 = arith.constant 2720 : index
    %get3A_843 = arith.constant 0 : index
    %get3A_844 = vector.load %arg1[%get3A_842, %get3A_843] : memref<4000x128xf32, #tpu.memory_space<vmem>>, vector<160x128xf32>
    %dot_general3A_845 = arith.constant dense<0.000000e+00> : vector<160x160xf32>
    %dot_general3A_846 = tpu.matmul %get3A_844, %get3A_844, %dot_general3A_845 {dimension_numbers = #tpu.dot_dimension_numbers<[1], [1], [0], [0], [0, 0, 1, 0], [], []>, transpose_lhs_hint = false} : vector<160x128xf32>, vector<160x128xf32>, vector<160x160xf32> -> vector<160x160xf32>
    %ge3A_847 = arith.constant 0.000000e+00 : f32
    %ge3A_848 = vector.broadcast %ge3A_847 : f32 to vector<160x160xf32>
    %ge3A_849 = arith.cmpf oge, %dot_general3A_846, %ge3A_848 : vector<160x160xf32>
    %mul3A_850 = arith.constant 2.000000e-01 : f32
    %mul3A_851 = vector.broadcast %mul3A_850 : f32 to vector<160x160xf32>
    %mul3A_852 = arith.mulf %mul3A_851, %dot_general3A_846 : vector<160x160xf32>
    %select_n3A_853 = arith.select %ge3A_849, %dot_general3A_846, %mul3A_852 : vector<160x160xi1>, vector<160x160xf32>
    %jit3A_854 = arith.constant 0xFF800000 : f32
    %broadcast_in_dim3A_855 = vector.broadcast %jit3A_854 : f32 to vector<160x160xf32>
    %select_n3A_856 = arith.select %eq3A, %select_n3A_853, %broadcast_in_dim3A_855 : vector<160x160xi1>, vector<160x160xf32>
    %reduce_max3A_857 = arith.constant dense<0xFF800000> : vector<160xf32>
    %reduce_max3A_858 = vector.multi_reduction <maximumf>, %select_n3A_856, %reduce_max3A_857 [0] : vector<160x160xf32> to vector<160xf32>
    %broadcast_in_dim3A_859 = vector.shape_cast %reduce_max3A_858 : vector<160xf32> to vector<1x160xf32>
    %sub3A_860 = vector.broadcast %broadcast_in_dim3A_859 : vector<1x160xf32> to vector<160x160xf32>
    %sub3A_861 = arith.subf %select_n3A_853, %sub3A_860 : vector<160x160xf32>
    %exp3A_862 = math.exp %sub3A_861 : vector<160x160xf32>
    %jit3A_863 = arith.constant 0.000000e+00 : f32
    %broadcast_in_dim3A_864 = vector.broadcast %jit3A_863 : f32 to vector<160x160xf32>
    %select_n3A_865 = arith.select %eq3A, %exp3A_862, %broadcast_in_dim3A_864 : vector<160x160xi1>, vector<160x160xf32>
    %reduce_sum3A_866 = arith.constant dense<0.000000e+00> : vector<160xf32>
    %reduce_sum3A_867 = vector.multi_reduction <add>, %select_n3A_865, %reduce_sum3A_866 [0] : vector<160x160xf32> to vector<160xf32>
    %broadcast_in_dim3A_868 = vector.shape_cast %reduce_sum3A_867 : vector<160xf32> to vector<1x160xf32>
    %div3A_869 = vector.broadcast %broadcast_in_dim3A_868 : vector<1x160xf32> to vector<160x160xf32>
    %div3A_870 = arith.divf %select_n3A_865, %div3A_869 : vector<160x160xf32>
    %dot_general3A_871 = arith.constant dense<0.000000e+00> : vector<160x128xf32>
    %dot_general3A_872 = tpu.matmul %div3A_870, %get3A_844, %dot_general3A_871 {dimension_numbers = #tpu.dot_dimension_numbers<[1], [0], [0], [1], [0, 0, 1, 1], [], []>, transpose_lhs_hint = false} : vector<160x160xf32>, vector<160x128xf32>, vector<160x128xf32> -> vector<160x128xf32>
    %gt3A_873 = arith.constant 0.000000e+00 : f32
    %gt3A_874 = vector.broadcast %gt3A_873 : f32 to vector<160x128xf32>
    %gt3A_875 = arith.cmpf ogt, %dot_general3A_872, %gt3A_874 : vector<160x128xf32>
    %min3A_876 = arith.constant 0.000000e+00 : f32
    %min3A_877 = vector.broadcast %min3A_876 : f32 to vector<160x128xf32>
    %min3A_878 = arith.minimumf %dot_general3A_872, %min3A_877 : vector<160x128xf32>
    %exp3A_879 = math.exp %min3A_878 : vector<160x128xf32>
    %sub3A_880 = arith.constant 1.000000e+00 : f32
    %sub3A_881 = vector.broadcast %sub3A_880 : f32 to vector<160x128xf32>
    %sub3A_882 = arith.subf %exp3A_879, %sub3A_881 : vector<160x128xf32>
    %select_n3A_883 = arith.select %gt3A_875, %dot_general3A_872, %sub3A_882 : vector<160x128xi1>, vector<160x128xf32>
    %reshape3A_884 = vector.shape_cast %select_n3A_883 : vector<160x128xf32> to vector<16x10x128xf32>
    %swap3A_885 = arith.constant 272 : index
    %swap3A_886 = arith.constant 0 : index
    %swap3A_887 = arith.constant 0 : index
    %swap3A_888 = vector.load %arg2[%swap3A_885, %swap3A_886, %swap3A_887] : memref<400x10x128xf32, #tpu.memory_space<vmem>>, vector<16x10x128xf32>
    tpu.vector_store %arg2[%swap3A_885, %swap3A_886, %swap3A_887], %reshape3A_884 {strides = array<i32>} : memref<400x10x128xf32, #tpu.memory_space<vmem>>, vector<16x10x128xf32>,
    %get3A_889 = arith.constant 2880 : index
    %get3A_890 = arith.constant 0 : index
    %get3A_891 = vector.load %arg1[%get3A_889, %get3A_890] : memref<4000x128xf32, #tpu.memory_space<vmem>>, vector<160x128xf32>
    %dot_general3A_892 = arith.constant dense<0.000000e+00> : vector<160x160xf32>
    %dot_general3A_893 = tpu.matmul %get3A_891, %get3A_891, %dot_general3A_892 {dimension_numbers = #tpu.dot_dimension_numbers<[1], [1], [0], [0], [0, 0, 1, 0], [], []>, transpose_lhs_hint = false} : vector<160x128xf32>, vector<160x128xf32>, vector<160x160xf32> -> vector<160x160xf32>
    %ge3A_894 = arith.constant 0.000000e+00 : f32
    %ge3A_895 = vector.broadcast %ge3A_894 : f32 to vector<160x160xf32>
    %ge3A_896 = arith.cmpf oge, %dot_general3A_893, %ge3A_895 : vector<160x160xf32>
    %mul3A_897 = arith.constant 2.000000e-01 : f32
    %mul3A_898 = vector.broadcast %mul3A_897 : f32 to vector<160x160xf32>
    %mul3A_899 = arith.mulf %mul3A_898, %dot_general3A_893 : vector<160x160xf32>
    %select_n3A_900 = arith.select %ge3A_896, %dot_general3A_893, %mul3A_899 : vector<160x160xi1>, vector<160x160xf32>
    %jit3A_901 = arith.constant 0xFF800000 : f32
    %broadcast_in_dim3A_902 = vector.broadcast %jit3A_901 : f32 to vector<160x160xf32>
    %select_n3A_903 = arith.select %eq3A, %select_n3A_900, %broadcast_in_dim3A_902 : vector<160x160xi1>, vector<160x160xf32>
    %reduce_max3A_904 = arith.constant dense<0xFF800000> : vector<160xf32>
    %reduce_max3A_905 = vector.multi_reduction <maximumf>, %select_n3A_903, %reduce_max3A_904 [0] : vector<160x160xf32> to vector<160xf32>
    %broadcast_in_dim3A_906 = vector.shape_cast %reduce_max3A_905 : vector<160xf32> to vector<1x160xf32>
    %sub3A_907 = vector.broadcast %broadcast_in_dim3A_906 : vector<1x160xf32> to vector<160x160xf32>
    %sub3A_908 = arith.subf %select_n3A_900, %sub3A_907 : vector<160x160xf32>
    %exp3A_909 = math.exp %sub3A_908 : vector<160x160xf32>
    %jit3A_910 = arith.constant 0.000000e+00 : f32
    %broadcast_in_dim3A_911 = vector.broadcast %jit3A_910 : f32 to vector<160x160xf32>
    %select_n3A_912 = arith.select %eq3A, %exp3A_909, %broadcast_in_dim3A_911 : vector<160x160xi1>, vector<160x160xf32>
    %reduce_sum3A_913 = arith.constant dense<0.000000e+00> : vector<160xf32>
    %reduce_sum3A_914 = vector.multi_reduction <add>, %select_n3A_912, %reduce_sum3A_913 [0] : vector<160x160xf32> to vector<160xf32>
    %broadcast_in_dim3A_915 = vector.shape_cast %reduce_sum3A_914 : vector<160xf32> to vector<1x160xf32>
    %div3A_916 = vector.broadcast %broadcast_in_dim3A_915 : vector<1x160xf32> to vector<160x160xf32>
    %div3A_917 = arith.divf %select_n3A_912, %div3A_916 : vector<160x160xf32>
    %dot_general3A_918 = arith.constant dense<0.000000e+00> : vector<160x128xf32>
    %dot_general3A_919 = tpu.matmul %div3A_917, %get3A_891, %dot_general3A_918 {dimension_numbers = #tpu.dot_dimension_numbers<[1], [0], [0], [1], [0, 0, 1, 1], [], []>, transpose_lhs_hint = false} : vector<160x160xf32>, vector<160x128xf32>, vector<160x128xf32> -> vector<160x128xf32>
    %gt3A_920 = arith.constant 0.000000e+00 : f32
    %gt3A_921 = vector.broadcast %gt3A_920 : f32 to vector<160x128xf32>
    %gt3A_922 = arith.cmpf ogt, %dot_general3A_919, %gt3A_921 : vector<160x128xf32>
    %min3A_923 = arith.constant 0.000000e+00 : f32
    %min3A_924 = vector.broadcast %min3A_923 : f32 to vector<160x128xf32>
    %min3A_925 = arith.minimumf %dot_general3A_919, %min3A_924 : vector<160x128xf32>
    %exp3A_926 = math.exp %min3A_925 : vector<160x128xf32>
    %sub3A_927 = arith.constant 1.000000e+00 : f32
    %sub3A_928 = vector.broadcast %sub3A_927 : f32 to vector<160x128xf32>
    %sub3A_929 = arith.subf %exp3A_926, %sub3A_928 : vector<160x128xf32>
    %select_n3A_930 = arith.select %gt3A_922, %dot_general3A_919, %sub3A_929 : vector<160x128xi1>, vector<160x128xf32>
    %reshape3A_931 = vector.shape_cast %select_n3A_930 : vector<160x128xf32> to vector<16x10x128xf32>
    %swap3A_932 = arith.constant 288 : index
    %swap3A_933 = arith.constant 0 : index
    %swap3A_934 = arith.constant 0 : index
    %swap3A_935 = vector.load %arg2[%swap3A_932, %swap3A_933, %swap3A_934] : memref<400x10x128xf32, #tpu.memory_space<vmem>>, vector<16x10x128xf32>
    tpu.vector_store %arg2[%swap3A_932, %swap3A_933, %swap3A_934], %reshape3A_931 {strides = array<i32>} : memref<400x10x128xf32, #tpu.memory_space<vmem>>, vector<16x10x128xf32>,
    %get3A_936 = arith.constant 3040 : index
    %get3A_937 = arith.constant 0 : index
    %get3A_938 = vector.load %arg1[%get3A_936, %get3A_937] : memref<4000x128xf32, #tpu.memory_space<vmem>>, vector<160x128xf32>
    %dot_general3A_939 = arith.constant dense<0.000000e+00> : vector<160x160xf32>
    %dot_general3A_940 = tpu.matmul %get3A_938, %get3A_938, %dot_general3A_939 {dimension_numbers = #tpu.dot_dimension_numbers<[1], [1], [0], [0], [0, 0, 1, 0], [], []>, transpose_lhs_hint = false} : vector<160x128xf32>, vector<160x128xf32>, vector<160x160xf32> -> vector<160x160xf32>
    %ge3A_941 = arith.constant 0.000000e+00 : f32
    %ge3A_942 = vector.broadcast %ge3A_941 : f32 to vector<160x160xf32>
    %ge3A_943 = arith.cmpf oge, %dot_general3A_940, %ge3A_942 : vector<160x160xf32>
    %mul3A_944 = arith.constant 2.000000e-01 : f32
    %mul3A_945 = vector.broadcast %mul3A_944 : f32 to vector<160x160xf32>
    %mul3A_946 = arith.mulf %mul3A_945, %dot_general3A_940 : vector<160x160xf32>
    %select_n3A_947 = arith.select %ge3A_943, %dot_general3A_940, %mul3A_946 : vector<160x160xi1>, vector<160x160xf32>
    %jit3A_948 = arith.constant 0xFF800000 : f32
    %broadcast_in_dim3A_949 = vector.broadcast %jit3A_948 : f32 to vector<160x160xf32>
    %select_n3A_950 = arith.select %eq3A, %select_n3A_947, %broadcast_in_dim3A_949 : vector<160x160xi1>, vector<160x160xf32>
    %reduce_max3A_951 = arith.constant dense<0xFF800000> : vector<160xf32>
    %reduce_max3A_952 = vector.multi_reduction <maximumf>, %select_n3A_950, %reduce_max3A_951 [0] : vector<160x160xf32> to vector<160xf32>
    %broadcast_in_dim3A_953 = vector.shape_cast %reduce_max3A_952 : vector<160xf32> to vector<1x160xf32>
    %sub3A_954 = vector.broadcast %broadcast_in_dim3A_953 : vector<1x160xf32> to vector<160x160xf32>
    %sub3A_955 = arith.subf %select_n3A_947, %sub3A_954 : vector<160x160xf32>
    %exp3A_956 = math.exp %sub3A_955 : vector<160x160xf32>
    %jit3A_957 = arith.constant 0.000000e+00 : f32
    %broadcast_in_dim3A_958 = vector.broadcast %jit3A_957 : f32 to vector<160x160xf32>
    %select_n3A_959 = arith.select %eq3A, %exp3A_956, %broadcast_in_dim3A_958 : vector<160x160xi1>, vector<160x160xf32>
    %reduce_sum3A_960 = arith.constant dense<0.000000e+00> : vector<160xf32>
    %reduce_sum3A_961 = vector.multi_reduction <add>, %select_n3A_959, %reduce_sum3A_960 [0] : vector<160x160xf32> to vector<160xf32>
    %broadcast_in_dim3A_962 = vector.shape_cast %reduce_sum3A_961 : vector<160xf32> to vector<1x160xf32>
    %div3A_963 = vector.broadcast %broadcast_in_dim3A_962 : vector<1x160xf32> to vector<160x160xf32>
    %div3A_964 = arith.divf %select_n3A_959, %div3A_963 : vector<160x160xf32>
    %dot_general3A_965 = arith.constant dense<0.000000e+00> : vector<160x128xf32>
    %dot_general3A_966 = tpu.matmul %div3A_964, %get3A_938, %dot_general3A_965 {dimension_numbers = #tpu.dot_dimension_numbers<[1], [0], [0], [1], [0, 0, 1, 1], [], []>, transpose_lhs_hint = false} : vector<160x160xf32>, vector<160x128xf32>, vector<160x128xf32> -> vector<160x128xf32>
    %gt3A_967 = arith.constant 0.000000e+00 : f32
    %gt3A_968 = vector.broadcast %gt3A_967 : f32 to vector<160x128xf32>
    %gt3A_969 = arith.cmpf ogt, %dot_general3A_966, %gt3A_968 : vector<160x128xf32>
    %min3A_970 = arith.constant 0.000000e+00 : f32
    %min3A_971 = vector.broadcast %min3A_970 : f32 to vector<160x128xf32>
    %min3A_972 = arith.minimumf %dot_general3A_966, %min3A_971 : vector<160x128xf32>
    %exp3A_973 = math.exp %min3A_972 : vector<160x128xf32>
    %sub3A_974 = arith.constant 1.000000e+00 : f32
    %sub3A_975 = vector.broadcast %sub3A_974 : f32 to vector<160x128xf32>
    %sub3A_976 = arith.subf %exp3A_973, %sub3A_975 : vector<160x128xf32>
    %select_n3A_977 = arith.select %gt3A_969, %dot_general3A_966, %sub3A_976 : vector<160x128xi1>, vector<160x128xf32>
    %reshape3A_978 = vector.shape_cast %select_n3A_977 : vector<160x128xf32> to vector<16x10x128xf32>
    %swap3A_979 = arith.constant 304 : index
    %swap3A_980 = arith.constant 0 : index
    %swap3A_981 = arith.constant 0 : index
    %swap3A_982 = vector.load %arg2[%swap3A_979, %swap3A_980, %swap3A_981] : memref<400x10x128xf32, #tpu.memory_space<vmem>>, vector<16x10x128xf32>
    tpu.vector_store %arg2[%swap3A_979, %swap3A_980, %swap3A_981], %reshape3A_978 {strides = array<i32>} : memref<400x10x128xf32, #tpu.memory_space<vmem>>, vector<16x10x128xf32>,
    %get3A_983 = arith.constant 3200 : index
    %get3A_984 = arith.constant 0 : index
    %get3A_985 = vector.load %arg1[%get3A_983, %get3A_984] : memref<4000x128xf32, #tpu.memory_space<vmem>>, vector<160x128xf32>
    %dot_general3A_986 = arith.constant dense<0.000000e+00> : vector<160x160xf32>
    %dot_general3A_987 = tpu.matmul %get3A_985, %get3A_985, %dot_general3A_986 {dimension_numbers = #tpu.dot_dimension_numbers<[1], [1], [0], [0], [0, 0, 1, 0], [], []>, transpose_lhs_hint = false} : vector<160x128xf32>, vector<160x128xf32>, vector<160x160xf32> -> vector<160x160xf32>
    %ge3A_988 = arith.constant 0.000000e+00 : f32
    %ge3A_989 = vector.broadcast %ge3A_988 : f32 to vector<160x160xf32>
    %ge3A_990 = arith.cmpf oge, %dot_general3A_987, %ge3A_989 : vector<160x160xf32>
    %mul3A_991 = arith.constant 2.000000e-01 : f32
    %mul3A_992 = vector.broadcast %mul3A_991 : f32 to vector<160x160xf32>
    %mul3A_993 = arith.mulf %mul3A_992, %dot_general3A_987 : vector<160x160xf32>
    %select_n3A_994 = arith.select %ge3A_990, %dot_general3A_987, %mul3A_993 : vector<160x160xi1>, vector<160x160xf32>
    %jit3A_995 = arith.constant 0xFF800000 : f32
    %broadcast_in_dim3A_996 = vector.broadcast %jit3A_995 : f32 to vector<160x160xf32>
    %select_n3A_997 = arith.select %eq3A, %select_n3A_994, %broadcast_in_dim3A_996 : vector<160x160xi1>, vector<160x160xf32>
    %reduce_max3A_998 = arith.constant dense<0xFF800000> : vector<160xf32>
    %reduce_max3A_999 = vector.multi_reduction <maximumf>, %select_n3A_997, %reduce_max3A_998 [0] : vector<160x160xf32> to vector<160xf32>
    %broadcast_in_dim3A_1000 = vector.shape_cast %reduce_max3A_999 : vector<160xf32> to vector<1x160xf32>
    %sub3A_1001 = vector.broadcast %broadcast_in_dim3A_1000 : vector<1x160xf32> to vector<160x160xf32>
    %sub3A_1002 = arith.subf %select_n3A_994, %sub3A_1001 : vector<160x160xf32>
    %exp3A_1003 = math.exp %sub3A_1002 : vector<160x160xf32>
    %jit3A_1004 = arith.constant 0.000000e+00 : f32
    %broadcast_in_dim3A_1005 = vector.broadcast %jit3A_1004 : f32 to vector<160x160xf32>
    %select_n3A_1006 = arith.select %eq3A, %exp3A_1003, %broadcast_in_dim3A_1005 : vector<160x160xi1>, vector<160x160xf32>
    %reduce_sum3A_1007 = arith.constant dense<0.000000e+00> : vector<160xf32>
    %reduce_sum3A_1008 = vector.multi_reduction <add>, %select_n3A_1006, %reduce_sum3A_1007 [0] : vector<160x160xf32> to vector<160xf32>
    %broadcast_in_dim3A_1009 = vector.shape_cast %reduce_sum3A_1008 : vector<160xf32> to vector<1x160xf32>
    %div3A_1010 = vector.broadcast %broadcast_in_dim3A_1009 : vector<1x160xf32> to vector<160x160xf32>
    %div3A_1011 = arith.divf %select_n3A_1006, %div3A_1010 : vector<160x160xf32>
    %dot_general3A_1012 = arith.constant dense<0.000000e+00> : vector<160x128xf32>
    %dot_general3A_1013 = tpu.matmul %div3A_1011, %get3A_985, %dot_general3A_1012 {dimension_numbers = #tpu.dot_dimension_numbers<[1], [0], [0], [1], [0, 0, 1, 1], [], []>, transpose_lhs_hint = false} : vector<160x160xf32>, vector<160x128xf32>, vector<160x128xf32> -> vector<160x128xf32>
    %gt3A_1014 = arith.constant 0.000000e+00 : f32
    %gt3A_1015 = vector.broadcast %gt3A_1014 : f32 to vector<160x128xf32>
    %gt3A_1016 = arith.cmpf ogt, %dot_general3A_1013, %gt3A_1015 : vector<160x128xf32>
    %min3A_1017 = arith.constant 0.000000e+00 : f32
    %min3A_1018 = vector.broadcast %min3A_1017 : f32 to vector<160x128xf32>
    %min3A_1019 = arith.minimumf %dot_general3A_1013, %min3A_1018 : vector<160x128xf32>
    %exp3A_1020 = math.exp %min3A_1019 : vector<160x128xf32>
    %sub3A_1021 = arith.constant 1.000000e+00 : f32
    %sub3A_1022 = vector.broadcast %sub3A_1021 : f32 to vector<160x128xf32>
    %sub3A_1023 = arith.subf %exp3A_1020, %sub3A_1022 : vector<160x128xf32>
    %select_n3A_1024 = arith.select %gt3A_1016, %dot_general3A_1013, %sub3A_1023 : vector<160x128xi1>, vector<160x128xf32>
    %reshape3A_1025 = vector.shape_cast %select_n3A_1024 : vector<160x128xf32> to vector<16x10x128xf32>
    %swap3A_1026 = arith.constant 320 : index
    %swap3A_1027 = arith.constant 0 : index
    %swap3A_1028 = arith.constant 0 : index
    %swap3A_1029 = vector.load %arg2[%swap3A_1026, %swap3A_1027, %swap3A_1028] : memref<400x10x128xf32, #tpu.memory_space<vmem>>, vector<16x10x128xf32>
    tpu.vector_store %arg2[%swap3A_1026, %swap3A_1027, %swap3A_1028], %reshape3A_1025 {strides = array<i32>} : memref<400x10x128xf32, #tpu.memory_space<vmem>>, vector<16x10x128xf32>,
    %get3A_1030 = arith.constant 3360 : index
    %get3A_1031 = arith.constant 0 : index
    %get3A_1032 = vector.load %arg1[%get3A_1030, %get3A_1031] : memref<4000x128xf32, #tpu.memory_space<vmem>>, vector<160x128xf32>
    %dot_general3A_1033 = arith.constant dense<0.000000e+00> : vector<160x160xf32>
    %dot_general3A_1034 = tpu.matmul %get3A_1032, %get3A_1032, %dot_general3A_1033 {dimension_numbers = #tpu.dot_dimension_numbers<[1], [1], [0], [0], [0, 0, 1, 0], [], []>, transpose_lhs_hint = false} : vector<160x128xf32>, vector<160x128xf32>, vector<160x160xf32> -> vector<160x160xf32>
    %ge3A_1035 = arith.constant 0.000000e+00 : f32
    %ge3A_1036 = vector.broadcast %ge3A_1035 : f32 to vector<160x160xf32>
    %ge3A_1037 = arith.cmpf oge, %dot_general3A_1034, %ge3A_1036 : vector<160x160xf32>
    %mul3A_1038 = arith.constant 2.000000e-01 : f32
    %mul3A_1039 = vector.broadcast %mul3A_1038 : f32 to vector<160x160xf32>
    %mul3A_1040 = arith.mulf %mul3A_1039, %dot_general3A_1034 : vector<160x160xf32>
    %select_n3A_1041 = arith.select %ge3A_1037, %dot_general3A_1034, %mul3A_1040 : vector<160x160xi1>, vector<160x160xf32>
    %jit3A_1042 = arith.constant 0xFF800000 : f32
    %broadcast_in_dim3A_1043 = vector.broadcast %jit3A_1042 : f32 to vector<160x160xf32>
    %select_n3A_1044 = arith.select %eq3A, %select_n3A_1041, %broadcast_in_dim3A_1043 : vector<160x160xi1>, vector<160x160xf32>
    %reduce_max3A_1045 = arith.constant dense<0xFF800000> : vector<160xf32>
    %reduce_max3A_1046 = vector.multi_reduction <maximumf>, %select_n3A_1044, %reduce_max3A_1045 [0] : vector<160x160xf32> to vector<160xf32>
    %broadcast_in_dim3A_1047 = vector.shape_cast %reduce_max3A_1046 : vector<160xf32> to vector<1x160xf32>
    %sub3A_1048 = vector.broadcast %broadcast_in_dim3A_1047 : vector<1x160xf32> to vector<160x160xf32>
    %sub3A_1049 = arith.subf %select_n3A_1041, %sub3A_1048 : vector<160x160xf32>
    %exp3A_1050 = math.exp %sub3A_1049 : vector<160x160xf32>
    %jit3A_1051 = arith.constant 0.000000e+00 : f32
    %broadcast_in_dim3A_1052 = vector.broadcast %jit3A_1051 : f32 to vector<160x160xf32>
    %select_n3A_1053 = arith.select %eq3A, %exp3A_1050, %broadcast_in_dim3A_1052 : vector<160x160xi1>, vector<160x160xf32>
    %reduce_sum3A_1054 = arith.constant dense<0.000000e+00> : vector<160xf32>
    %reduce_sum3A_1055 = vector.multi_reduction <add>, %select_n3A_1053, %reduce_sum3A_1054 [0] : vector<160x160xf32> to vector<160xf32>
    %broadcast_in_dim3A_1056 = vector.shape_cast %reduce_sum3A_1055 : vector<160xf32> to vector<1x160xf32>
    %div3A_1057 = vector.broadcast %broadcast_in_dim3A_1056 : vector<1x160xf32> to vector<160x160xf32>
    %div3A_1058 = arith.divf %select_n3A_1053, %div3A_1057 : vector<160x160xf32>
    %dot_general3A_1059 = arith.constant dense<0.000000e+00> : vector<160x128xf32>
    %dot_general3A_1060 = tpu.matmul %div3A_1058, %get3A_1032, %dot_general3A_1059 {dimension_numbers = #tpu.dot_dimension_numbers<[1], [0], [0], [1], [0, 0, 1, 1], [], []>, transpose_lhs_hint = false} : vector<160x160xf32>, vector<160x128xf32>, vector<160x128xf32> -> vector<160x128xf32>
    %gt3A_1061 = arith.constant 0.000000e+00 : f32
    %gt3A_1062 = vector.broadcast %gt3A_1061 : f32 to vector<160x128xf32>
    %gt3A_1063 = arith.cmpf ogt, %dot_general3A_1060, %gt3A_1062 : vector<160x128xf32>
    %min3A_1064 = arith.constant 0.000000e+00 : f32
    %min3A_1065 = vector.broadcast %min3A_1064 : f32 to vector<160x128xf32>
    %min3A_1066 = arith.minimumf %dot_general3A_1060, %min3A_1065 : vector<160x128xf32>
    %exp3A_1067 = math.exp %min3A_1066 : vector<160x128xf32>
    %sub3A_1068 = arith.constant 1.000000e+00 : f32
    %sub3A_1069 = vector.broadcast %sub3A_1068 : f32 to vector<160x128xf32>
    %sub3A_1070 = arith.subf %exp3A_1067, %sub3A_1069 : vector<160x128xf32>
    %select_n3A_1071 = arith.select %gt3A_1063, %dot_general3A_1060, %sub3A_1070 : vector<160x128xi1>, vector<160x128xf32>
    %reshape3A_1072 = vector.shape_cast %select_n3A_1071 : vector<160x128xf32> to vector<16x10x128xf32>
    %swap3A_1073 = arith.constant 336 : index
    %swap3A_1074 = arith.constant 0 : index
    %swap3A_1075 = arith.constant 0 : index
    %swap3A_1076 = vector.load %arg2[%swap3A_1073, %swap3A_1074, %swap3A_1075] : memref<400x10x128xf32, #tpu.memory_space<vmem>>, vector<16x10x128xf32>
    tpu.vector_store %arg2[%swap3A_1073, %swap3A_1074, %swap3A_1075], %reshape3A_1072 {strides = array<i32>} : memref<400x10x128xf32, #tpu.memory_space<vmem>>, vector<16x10x128xf32>,
    %get3A_1077 = arith.constant 3520 : index
    %get3A_1078 = arith.constant 0 : index
    %get3A_1079 = vector.load %arg1[%get3A_1077, %get3A_1078] : memref<4000x128xf32, #tpu.memory_space<vmem>>, vector<160x128xf32>
    %dot_general3A_1080 = arith.constant dense<0.000000e+00> : vector<160x160xf32>
    %dot_general3A_1081 = tpu.matmul %get3A_1079, %get3A_1079, %dot_general3A_1080 {dimension_numbers = #tpu.dot_dimension_numbers<[1], [1], [0], [0], [0, 0, 1, 0], [], []>, transpose_lhs_hint = false} : vector<160x128xf32>, vector<160x128xf32>, vector<160x160xf32> -> vector<160x160xf32>
    %ge3A_1082 = arith.constant 0.000000e+00 : f32
    %ge3A_1083 = vector.broadcast %ge3A_1082 : f32 to vector<160x160xf32>
    %ge3A_1084 = arith.cmpf oge, %dot_general3A_1081, %ge3A_1083 : vector<160x160xf32>
    %mul3A_1085 = arith.constant 2.000000e-01 : f32
    %mul3A_1086 = vector.broadcast %mul3A_1085 : f32 to vector<160x160xf32>
    %mul3A_1087 = arith.mulf %mul3A_1086, %dot_general3A_1081 : vector<160x160xf32>
    %select_n3A_1088 = arith.select %ge3A_1084, %dot_general3A_1081, %mul3A_1087 : vector<160x160xi1>, vector<160x160xf32>
    %jit3A_1089 = arith.constant 0xFF800000 : f32
    %broadcast_in_dim3A_1090 = vector.broadcast %jit3A_1089 : f32 to vector<160x160xf32>
    %select_n3A_1091 = arith.select %eq3A, %select_n3A_1088, %broadcast_in_dim3A_1090 : vector<160x160xi1>, vector<160x160xf32>
    %reduce_max3A_1092 = arith.constant dense<0xFF800000> : vector<160xf32>
    %reduce_max3A_1093 = vector.multi_reduction <maximumf>, %select_n3A_1091, %reduce_max3A_1092 [0] : vector<160x160xf32> to vector<160xf32>
    %broadcast_in_dim3A_1094 = vector.shape_cast %reduce_max3A_1093 : vector<160xf32> to vector<1x160xf32>
    %sub3A_1095 = vector.broadcast %broadcast_in_dim3A_1094 : vector<1x160xf32> to vector<160x160xf32>
    %sub3A_1096 = arith.subf %select_n3A_1088, %sub3A_1095 : vector<160x160xf32>
    %exp3A_1097 = math.exp %sub3A_1096 : vector<160x160xf32>
    %jit3A_1098 = arith.constant 0.000000e+00 : f32
    %broadcast_in_dim3A_1099 = vector.broadcast %jit3A_1098 : f32 to vector<160x160xf32>
    %select_n3A_1100 = arith.select %eq3A, %exp3A_1097, %broadcast_in_dim3A_1099 : vector<160x160xi1>, vector<160x160xf32>
    %reduce_sum3A_1101 = arith.constant dense<0.000000e+00> : vector<160xf32>
    %reduce_sum3A_1102 = vector.multi_reduction <add>, %select_n3A_1100, %reduce_sum3A_1101 [0] : vector<160x160xf32> to vector<160xf32>
    %broadcast_in_dim3A_1103 = vector.shape_cast %reduce_sum3A_1102 : vector<160xf32> to vector<1x160xf32>
    %div3A_1104 = vector.broadcast %broadcast_in_dim3A_1103 : vector<1x160xf32> to vector<160x160xf32>
    %div3A_1105 = arith.divf %select_n3A_1100, %div3A_1104 : vector<160x160xf32>
    %dot_general3A_1106 = arith.constant dense<0.000000e+00> : vector<160x128xf32>
    %dot_general3A_1107 = tpu.matmul %div3A_1105, %get3A_1079, %dot_general3A_1106 {dimension_numbers = #tpu.dot_dimension_numbers<[1], [0], [0], [1], [0, 0, 1, 1], [], []>, transpose_lhs_hint = false} : vector<160x160xf32>, vector<160x128xf32>, vector<160x128xf32> -> vector<160x128xf32>
    %gt3A_1108 = arith.constant 0.000000e+00 : f32
    %gt3A_1109 = vector.broadcast %gt3A_1108 : f32 to vector<160x128xf32>
    %gt3A_1110 = arith.cmpf ogt, %dot_general3A_1107, %gt3A_1109 : vector<160x128xf32>
    %min3A_1111 = arith.constant 0.000000e+00 : f32
    %min3A_1112 = vector.broadcast %min3A_1111 : f32 to vector<160x128xf32>
    %min3A_1113 = arith.minimumf %dot_general3A_1107, %min3A_1112 : vector<160x128xf32>
    %exp3A_1114 = math.exp %min3A_1113 : vector<160x128xf32>
    %sub3A_1115 = arith.constant 1.000000e+00 : f32
    %sub3A_1116 = vector.broadcast %sub3A_1115 : f32 to vector<160x128xf32>
    %sub3A_1117 = arith.subf %exp3A_1114, %sub3A_1116 : vector<160x128xf32>
    %select_n3A_1118 = arith.select %gt3A_1110, %dot_general3A_1107, %sub3A_1117 : vector<160x128xi1>, vector<160x128xf32>
    %reshape3A_1119 = vector.shape_cast %select_n3A_1118 : vector<160x128xf32> to vector<16x10x128xf32>
    %swap3A_1120 = arith.constant 352 : index
    %swap3A_1121 = arith.constant 0 : index
    %swap3A_1122 = arith.constant 0 : index
    %swap3A_1123 = vector.load %arg2[%swap3A_1120, %swap3A_1121, %swap3A_1122] : memref<400x10x128xf32, #tpu.memory_space<vmem>>, vector<16x10x128xf32>
    tpu.vector_store %arg2[%swap3A_1120, %swap3A_1121, %swap3A_1122], %reshape3A_1119 {strides = array<i32>} : memref<400x10x128xf32, #tpu.memory_space<vmem>>, vector<16x10x128xf32>,
    %get3A_1124 = arith.constant 3680 : index
    %get3A_1125 = arith.constant 0 : index
    %get3A_1126 = vector.load %arg1[%get3A_1124, %get3A_1125] : memref<4000x128xf32, #tpu.memory_space<vmem>>, vector<160x128xf32>
    %dot_general3A_1127 = arith.constant dense<0.000000e+00> : vector<160x160xf32>
    %dot_general3A_1128 = tpu.matmul %get3A_1126, %get3A_1126, %dot_general3A_1127 {dimension_numbers = #tpu.dot_dimension_numbers<[1], [1], [0], [0], [0, 0, 1, 0], [], []>, transpose_lhs_hint = false} : vector<160x128xf32>, vector<160x128xf32>, vector<160x160xf32> -> vector<160x160xf32>
    %ge3A_1129 = arith.constant 0.000000e+00 : f32
    %ge3A_1130 = vector.broadcast %ge3A_1129 : f32 to vector<160x160xf32>
    %ge3A_1131 = arith.cmpf oge, %dot_general3A_1128, %ge3A_1130 : vector<160x160xf32>
    %mul3A_1132 = arith.constant 2.000000e-01 : f32
    %mul3A_1133 = vector.broadcast %mul3A_1132 : f32 to vector<160x160xf32>
    %mul3A_1134 = arith.mulf %mul3A_1133, %dot_general3A_1128 : vector<160x160xf32>
    %select_n3A_1135 = arith.select %ge3A_1131, %dot_general3A_1128, %mul3A_1134 : vector<160x160xi1>, vector<160x160xf32>
    %jit3A_1136 = arith.constant 0xFF800000 : f32
    %broadcast_in_dim3A_1137 = vector.broadcast %jit3A_1136 : f32 to vector<160x160xf32>
    %select_n3A_1138 = arith.select %eq3A, %select_n3A_1135, %broadcast_in_dim3A_1137 : vector<160x160xi1>, vector<160x160xf32>
    %reduce_max3A_1139 = arith.constant dense<0xFF800000> : vector<160xf32>
    %reduce_max3A_1140 = vector.multi_reduction <maximumf>, %select_n3A_1138, %reduce_max3A_1139 [0] : vector<160x160xf32> to vector<160xf32>
    %broadcast_in_dim3A_1141 = vector.shape_cast %reduce_max3A_1140 : vector<160xf32> to vector<1x160xf32>
    %sub3A_1142 = vector.broadcast %broadcast_in_dim3A_1141 : vector<1x160xf32> to vector<160x160xf32>
    %sub3A_1143 = arith.subf %select_n3A_1135, %sub3A_1142 : vector<160x160xf32>
    %exp3A_1144 = math.exp %sub3A_1143 : vector<160x160xf32>
    %jit3A_1145 = arith.constant 0.000000e+00 : f32
    %broadcast_in_dim3A_1146 = vector.broadcast %jit3A_1145 : f32 to vector<160x160xf32>
    %select_n3A_1147 = arith.select %eq3A, %exp3A_1144, %broadcast_in_dim3A_1146 : vector<160x160xi1>, vector<160x160xf32>
    %reduce_sum3A_1148 = arith.constant dense<0.000000e+00> : vector<160xf32>
    %reduce_sum3A_1149 = vector.multi_reduction <add>, %select_n3A_1147, %reduce_sum3A_1148 [0] : vector<160x160xf32> to vector<160xf32>
    %broadcast_in_dim3A_1150 = vector.shape_cast %reduce_sum3A_1149 : vector<160xf32> to vector<1x160xf32>
    %div3A_1151 = vector.broadcast %broadcast_in_dim3A_1150 : vector<1x160xf32> to vector<160x160xf32>
    %div3A_1152 = arith.divf %select_n3A_1147, %div3A_1151 : vector<160x160xf32>
    %dot_general3A_1153 = arith.constant dense<0.000000e+00> : vector<160x128xf32>
    %dot_general3A_1154 = tpu.matmul %div3A_1152, %get3A_1126, %dot_general3A_1153 {dimension_numbers = #tpu.dot_dimension_numbers<[1], [0], [0], [1], [0, 0, 1, 1], [], []>, transpose_lhs_hint = false} : vector<160x160xf32>, vector<160x128xf32>, vector<160x128xf32> -> vector<160x128xf32>
    %gt3A_1155 = arith.constant 0.000000e+00 : f32
    %gt3A_1156 = vector.broadcast %gt3A_1155 : f32 to vector<160x128xf32>
    %gt3A_1157 = arith.cmpf ogt, %dot_general3A_1154, %gt3A_1156 : vector<160x128xf32>
    %min3A_1158 = arith.constant 0.000000e+00 : f32
    %min3A_1159 = vector.broadcast %min3A_1158 : f32 to vector<160x128xf32>
    %min3A_1160 = arith.minimumf %dot_general3A_1154, %min3A_1159 : vector<160x128xf32>
    %exp3A_1161 = math.exp %min3A_1160 : vector<160x128xf32>
    %sub3A_1162 = arith.constant 1.000000e+00 : f32
    %sub3A_1163 = vector.broadcast %sub3A_1162 : f32 to vector<160x128xf32>
    %sub3A_1164 = arith.subf %exp3A_1161, %sub3A_1163 : vector<160x128xf32>
    %select_n3A_1165 = arith.select %gt3A_1157, %dot_general3A_1154, %sub3A_1164 : vector<160x128xi1>, vector<160x128xf32>
    %reshape3A_1166 = vector.shape_cast %select_n3A_1165 : vector<160x128xf32> to vector<16x10x128xf32>
    %swap3A_1167 = arith.constant 368 : index
    %swap3A_1168 = arith.constant 0 : index
    %swap3A_1169 = arith.constant 0 : index
    %swap3A_1170 = vector.load %arg2[%swap3A_1167, %swap3A_1168, %swap3A_1169] : memref<400x10x128xf32, #tpu.memory_space<vmem>>, vector<16x10x128xf32>
    tpu.vector_store %arg2[%swap3A_1167, %swap3A_1168, %swap3A_1169], %reshape3A_1166 {strides = array<i32>} : memref<400x10x128xf32, #tpu.memory_space<vmem>>, vector<16x10x128xf32>,
    %get3A_1171 = arith.constant 3840 : index
    %get3A_1172 = arith.constant 0 : index
    %get3A_1173 = vector.load %arg1[%get3A_1171, %get3A_1172] : memref<4000x128xf32, #tpu.memory_space<vmem>>, vector<160x128xf32>
    %dot_general3A_1174 = arith.constant dense<0.000000e+00> : vector<160x160xf32>
    %dot_general3A_1175 = tpu.matmul %get3A_1173, %get3A_1173, %dot_general3A_1174 {dimension_numbers = #tpu.dot_dimension_numbers<[1], [1], [0], [0], [0, 0, 1, 0], [], []>, transpose_lhs_hint = false} : vector<160x128xf32>, vector<160x128xf32>, vector<160x160xf32> -> vector<160x160xf32>
    %ge3A_1176 = arith.constant 0.000000e+00 : f32
    %ge3A_1177 = vector.broadcast %ge3A_1176 : f32 to vector<160x160xf32>
    %ge3A_1178 = arith.cmpf oge, %dot_general3A_1175, %ge3A_1177 : vector<160x160xf32>
    %mul3A_1179 = arith.constant 2.000000e-01 : f32
    %mul3A_1180 = vector.broadcast %mul3A_1179 : f32 to vector<160x160xf32>
    %mul3A_1181 = arith.mulf %mul3A_1180, %dot_general3A_1175 : vector<160x160xf32>
    %select_n3A_1182 = arith.select %ge3A_1178, %dot_general3A_1175, %mul3A_1181 : vector<160x160xi1>, vector<160x160xf32>
    %jit3A_1183 = arith.constant 0xFF800000 : f32
    %broadcast_in_dim3A_1184 = vector.broadcast %jit3A_1183 : f32 to vector<160x160xf32>
    %select_n3A_1185 = arith.select %eq3A, %select_n3A_1182, %broadcast_in_dim3A_1184 : vector<160x160xi1>, vector<160x160xf32>
    %reduce_max3A_1186 = arith.constant dense<0xFF800000> : vector<160xf32>
    %reduce_max3A_1187 = vector.multi_reduction <maximumf>, %select_n3A_1185, %reduce_max3A_1186 [0] : vector<160x160xf32> to vector<160xf32>
    %broadcast_in_dim3A_1188 = vector.shape_cast %reduce_max3A_1187 : vector<160xf32> to vector<1x160xf32>
    %sub3A_1189 = vector.broadcast %broadcast_in_dim3A_1188 : vector<1x160xf32> to vector<160x160xf32>
    %sub3A_1190 = arith.subf %select_n3A_1182, %sub3A_1189 : vector<160x160xf32>
    %exp3A_1191 = math.exp %sub3A_1190 : vector<160x160xf32>
    %jit3A_1192 = arith.constant 0.000000e+00 : f32
    %broadcast_in_dim3A_1193 = vector.broadcast %jit3A_1192 : f32 to vector<160x160xf32>
    %select_n3A_1194 = arith.select %eq3A, %exp3A_1191, %broadcast_in_dim3A_1193 : vector<160x160xi1>, vector<160x160xf32>
    %reduce_sum3A_1195 = arith.constant dense<0.000000e+00> : vector<160xf32>
    %reduce_sum3A_1196 = vector.multi_reduction <add>, %select_n3A_1194, %reduce_sum3A_1195 [0] : vector<160x160xf32> to vector<160xf32>
    %broadcast_in_dim3A_1197 = vector.shape_cast %reduce_sum3A_1196 : vector<160xf32> to vector<1x160xf32>
    %div3A_1198 = vector.broadcast %broadcast_in_dim3A_1197 : vector<1x160xf32> to vector<160x160xf32>
    %div3A_1199 = arith.divf %select_n3A_1194, %div3A_1198 : vector<160x160xf32>
    %dot_general3A_1200 = arith.constant dense<0.000000e+00> : vector<160x128xf32>
    %dot_general3A_1201 = tpu.matmul %div3A_1199, %get3A_1173, %dot_general3A_1200 {dimension_numbers = #tpu.dot_dimension_numbers<[1], [0], [0], [1], [0, 0, 1, 1], [], []>, transpose_lhs_hint = false} : vector<160x160xf32>, vector<160x128xf32>, vector<160x128xf32> -> vector<160x128xf32>
    %gt3A_1202 = arith.constant 0.000000e+00 : f32
    %gt3A_1203 = vector.broadcast %gt3A_1202 : f32 to vector<160x128xf32>
    %gt3A_1204 = arith.cmpf ogt, %dot_general3A_1201, %gt3A_1203 : vector<160x128xf32>
    %min3A_1205 = arith.constant 0.000000e+00 : f32
    %min3A_1206 = vector.broadcast %min3A_1205 : f32 to vector<160x128xf32>
    %min3A_1207 = arith.minimumf %dot_general3A_1201, %min3A_1206 : vector<160x128xf32>
    %exp3A_1208 = math.exp %min3A_1207 : vector<160x128xf32>
    %sub3A_1209 = arith.constant 1.000000e+00 : f32
    %sub3A_1210 = vector.broadcast %sub3A_1209 : f32 to vector<160x128xf32>
    %sub3A_1211 = arith.subf %exp3A_1208, %sub3A_1210 : vector<160x128xf32>
    %select_n3A_1212 = arith.select %gt3A_1204, %dot_general3A_1201, %sub3A_1211 : vector<160x128xi1>, vector<160x128xf32>
    %reshape3A_1213 = vector.shape_cast %select_n3A_1212 : vector<160x128xf32> to vector<16x10x128xf32>
    %swap3A_1214 = arith.constant 384 : index
    %swap3A_1215 = arith.constant 0 : index
    %swap3A_1216 = arith.constant 0 : index
    %swap3A_1217 = vector.load %arg2[%swap3A_1214, %swap3A_1215, %swap3A_1216] : memref<400x10x128xf32, #tpu.memory_space<vmem>>, vector<16x10x128xf32>
    tpu.vector_store %arg2[%swap3A_1214, %swap3A_1215, %swap3A_1216], %reshape3A_1213 {strides = array<i32>} : memref<400x10x128xf32, #tpu.memory_space<vmem>>, vector<16x10x128xf32>,
    return
  }
  func.func @transform_0(%arg0: i32) -> (i32, i32) {
    %c0_i32 = arith.constant 0 : i32
    %c0_i32_0 = arith.constant 0 : i32
    return %arg0, %c0_i32 : i32, i32
  }
  func.func @transform_1(%arg0: i32) -> (i32, i32, i32) {
    %c0_i32 = arith.constant 0 : i32
    %c0_i32_0 = arith.constant 0 : i32
    %c0_i32_1 = arith.constant 0 : i32
    return %arg0, %c0_i32, %c0_i32_0 : i32, i32, i32
  }
}

</mosaic_0001>

<sc_bundles>
// kernel: kernel.5.cloned.1.call-start
scs
__scs_entry_jumppad:
0x0: {  	(pc) =	sbr.rel $0x88, $3  }
0x1: {  	(tag) =	ssettag $0x0;
	lr =	simm.s32 $0x1  }
0x2: {  	[smem:$0x3F9E] =	sst lr;
	_ =	strace $0xD0000000  }
0x3: {  	_ = 	snop  }
0x4: {  	_ = 	snop  }
0x5: {  	_ = 	snop  }
0x6: {  	_ = 	snop  }
0x7: {  	_ = 	snop  }
__scs_overlays_trampoline_lowered:
0x8: {  	[smem:$0x3FAD] =	sst s0  }
0x9: {  	[smem:$0x3FAE] =	sst s1  }
0xa: {  	[smem:$0x3FAF] =	sst s2  }
0xb: {  	[smem:$0x3FB0] =	sst s3  }
0xc: {  	[smem:$0x3FB1] =	sst s4  }
0xd: {  	[smem:$0x3FB2] =	sst s5  }
0xe: {  	[smem:$0x3FB3] =	sst s6  }
0xf: {  	[smem:$0x3FB4] =	sst s7  }
0x10: {  	[smem:$0x3FB5] =	sst s8  }
0x11: {  	[smem:$0x3FB6] =	sst s9;
	s0 =	simm.s32 @!p0 $0x0  }
0x12: {  	s1 =	sld [smem:$0x3F9C];
	s0 =	simm.s32 @p0 $0x1  }
0x13: {  	[smem:$0x3FB7] =	sst s0;
	s0 =	simm.s32 @!p1 $0x0  }
0x14: {  	s2 =	sld [smem:$0x3F9B];
	s0 =	simm.s32 @p1 $0x1  }
0x15: {  	[smem:$0x3FB8] =	sst s0;
	s0 =	simm.s32 @!p2 $0x0  }
0x16: {  	s3 =	sld [smem:$0x3FDB];
	s0 =	simm.s32 @p2 $0x1  }
0x17: {  	s4 =	simm.s32 $0x1BF5;
	[smem:$0x3FBA] =	sst s0  }
0x18: {  	s0 =	sld [smem:$0x3F9D];
	_ =	swait.ge [sflag:s4], $0x0  }
0x19: {  	s7 =	sld [smem:$0x3F9E]  }
0x1a: {  	s8 =	sadd.s32 $0xFFFFE003, lr  }
0x1b: {  	s9 =	sadd.s32 $0xFFFFFEF7, lr;
	s5 =	simm.s32 $0xFFFFFFFF;
	p2 =	slt.u32 s8, $0xFFFFF086  }
0x1c: {  	p1 =	slt.u32 s9, $0xF7A;
	s5 =	simm.s32 @!p2 $0x0  }
0x1d: {  	s5 =	simm.s32 @p1 $0x1;
	p0 =	seq.s32 s7, s2  }
0x1e: {  	s7 =	smul.u32 @!p0 $0xF7A, s2;
	p2 =	seq.s32 @!p0 s5, $0x0  }
0x1f: {  	s9 =	smul.u32 $0xF7A, s1;
	s8 =	simm.s32 @!p0 $0x1BF5;
	p2 =	por !p2, p0  }
0x20: {  	[sflag:s8] =	ssyncset.s32 @!p0 $0xFFFFF086;
	s6 =	sadd.s32 @!p0 s3, s7;
	s7 =	simm.s32 @!p0 $0x108  }
0x21: {  	s3 =	sadd.s32 s3, s9;
	s6 =	sadd.s32 @!p0 $0x88, s6;
	s7 =	simm.s32 @p2 $0x1082  }
0x22: {  	[simem:s7], [sflag:s8] =	dma.local @!p0 [hbm:s6], $0xF7A  }
0x23: {  	s9 =	sor.u32 $0xD0000000, s2;
	s6 =	simm.s32 $0x108;
	_ =	swait.ge @!p0 [sflag:s8], $0x0  }
0x24: {  	s3 =	sadd.s32 $0x88, s3;
	s6 =	simm.s32 @!p1 $0x1082;
	[sflag:s4] =	ssyncset.s32 $0xFFFFF086  }
0x25: {  	[simem:s6], [sflag:s4] =	dma.local [hbm:s3], $0xF7A  }
0x26: {  	[smem:$0x3F9E] =	sst s1;
	(tag) =	ssettag s2;
	_ =	strace s9  }
0x27: {  	s1 =	sld [smem:$0x3FAE]  }
0x28: {  	s2 =	sld [smem:$0x3FAF]  }
0x29: {  	s4 =	sld [smem:$0x3FB1]  }
0x2a: {  	p0 =	seq.s32 s5, $0x0;
	s5 =	sld [smem:$0x3FB2]  }
0x2b: {  	s6 =	sld [smem:$0x3FB3]  }
0x2c: {  	s7 =	sld [smem:$0x3FB4]  }
0x2d: {  	s3 =	simm.s32 $0x108;
	s8 =	sld [smem:$0x3FB5]  }
0x2e: {  	s3 =	simm.s32 @!p0 $0x1082;
	s9 =	sld [smem:$0x3FB6]  }
0x2f: {  	lr =	sadd.s32 s0, s3;
	s0 =	sld [smem:$0x3FAD]  }
0x30: {  	s3 =	sld [smem:$0x3FB0]  }
0x31: {  	[smem:$0x3FB9] =	sst s10  }
0x32: {  	s10 =	sld [smem:$0x3FB7];
	_ =	sdelay $0x3  }
0x33: {  	p0 =	seq.s32 s10, $0x1;
	s10 =	sld [smem:$0x3FB9];
	_ =	sdelay $0x3  }
0x34: {  	[smem:$0x3FB9] =	sst s10  }
0x35: {  	s10 =	sld [smem:$0x3FB8];
	_ =	sdelay $0x3  }
0x36: {  	p1 =	seq.s32 s10, $0x1;
	s10 =	sld [smem:$0x3FB9];
	_ =	sdelay $0x3  }
0x37: {  	[smem:$0x3FB9] =	sst s10  }
0x38: {  	s10 =	sld [smem:$0x3FBA]  }
0x39: {  	_ = 	snop;
	(pc) =	sbr.ind lr, $3  }
0x3a: {  	_ = 	snop  }
0x3b: {  	_ = 	snop  }
0x3c: {  	p2 =	seq.s32 s10, $0x1;
	s10 =	sld [smem:$0x3FB9]  }
0x3d: {  	_ =	shalt  }
0x3e: {  	_ =	shalt  }
0x3f: {  	_ =	shalt  }
0x40: {  	_ =	shalt  }
0x41: {  	_ =	shalt  }
0x42: {  	_ =	shalt  }
0x43: {  	_ =	shalt  }
0x44: {  	_ =	shalt  }
0x45: {  	_ =	shalt  }
0x46: {  	_ =	shalt  }
0x47: {  	_ =	shalt  }
0x48: {  	_ =	shalt  }
0x49: {  	_ =	shalt  }
0x4a: {  	_ =	shalt  }
0x4b: {  	_ =	shalt  }
0x4c: {  	_ =	shalt  }
0x4d: {  	_ =	shalt  }
0x4e: {  	_ =	shalt  }
0x4f: {  	_ =	shalt  }
0x50: {  	_ =	shalt  }
0x51: {  	_ =	shalt  }
0x52: {  	_ =	shalt  }
0x53: {  	_ =	shalt  }
0x54: {  	_ =	shalt  }
0x55: {  	_ =	shalt  }
0x56: {  	_ =	shalt  }
0x57: {  	_ =	shalt  }
0x58: {  	_ =	shalt  }
0x59: {  	_ =	shalt  }
0x5a: {  	_ =	shalt  }
0x5b: {  	_ =	shalt  }
0x5c: {  	_ =	shalt  }
0x5d: {  	_ =	shalt  }
0x5e: {  	_ =	shalt  }
0x5f: {  	_ =	shalt  }
0x60: {  	_ =	shalt  }
0x61: {  	_ =	shalt  }
0x62: {  	_ =	shalt  }
0x63: {  	_ =	shalt  }
0x64: {  	_ =	shalt  }
0x65: {  	_ =	shalt  }
0x66: {  	_ =	shalt  }
0x67: {  	_ =	shalt  }
0x68: {  	_ =	shalt  }
0x69: {  	_ =	shalt  }
0x6a: {  	_ =	shalt  }
0x6b: {  	_ =	shalt  }
0x6c: {  	_ =	shalt  }
0x6d: {  	_ =	shalt  }
0x6e: {  	_ =	shalt  }
0x6f: {  	_ =	shalt  }
0x70: {  	_ =	shalt  }
0x71: {  	_ =	shalt  }
0x72: {  	_ =	shalt  }
0x73: {  	_ =	shalt  }
0x74: {  	_ =	shalt  }
0x75: {  	_ =	shalt  }
0x76: {  	_ =	shalt  }
0x77: {  	_ =	shalt  }
0x78: {  	_ =	shalt  }
0x79: {  	_ =	shalt  }
0x7a: {  	_ =	shalt  }
0x7b: {  	_ =	shalt  }
0x7c: {  	_ =	shalt  }
0x7d: {  	_ =	shalt  }
0x7e: {  	_ =	shalt  }
0x7f: {  	_ =	shalt  }
0x80: {  	_ =	shalt  }
0x81: {  	_ =	shalt  }
0x82: {  	_ =	shalt  }
0x83: {  	_ =	shalt  }
0x84: {  	_ =	shalt  }
0x85: {  	_ =	shalt  }
0x86: {  	_ =	shalt  }
0x87: {  	_ =	shalt  }
.Lfunc_end0:
.L_simem_size_0:
called_computation_lowered:
.L_overlay_start_0:
0x88: {  	s2 =	sld [smem:$0x3FD9]  }
0x89: {  	s3 =	sld [smem:$0x3FFE];
	_ =	sdelay $0x1  }
0x8a: {  	s1 =	srdreg.scid  }
0x8b: {  	s0 =	sand.u32 $0x1, s1  }
0x8c: {  	s17 =	sshll.u32 s0, $0xA;
	s2 =	sadd.s32 s3, s2  }
0x8d: {  	s2 =	sadd.s32 s2, s17  }
0x8e: {  	[smem:$0x3FC5] =	sst s2  }
0x8f: {  	_ = 	snop  }
0x90: {  	s2 =	sld [smem:$0x3FD0];
	(tm) =	ssettm $0x1  }
0x91: {  	s18 =	sld [smem:$0x3FFB];
	_ =	sdelay $0x3  }
0x92: {  	_ =	strace s18  }
0x93: {  	s3 =	sld [smem:$0x3FFC];
	_ =	sdelay $0x3  }
0x94: {  	_ =	strace s3  }
0x95: {  	s3 =	sld [smem:$0x3FFD];
	_ =	sdelay $0x3  }
0x96: {  	_ =	strace s3  }
0x97: {  	_ =	strace $0x8FFFFFFF  }
0x98: {  	s19 =	sld [smem:$0x3FDB];
	_ =	sdelay $0x1  }
0x99: {  	s4 =	simm.s32 $_scs_section_size  }
0x9a: {  	s5 =	simm.s32 $_size__tile_overlayer_lowered;
	s6 =	simm.s32 $_tile_overlayer_lowered  }
0x9b: {  	s22 =	simm.s32 $0x1BFF;
	s21 =	sshll.u32 s6, $0x1;
	s3 =	sadd.s32 s4, s19  }
0x9c: {  	s7 =	simm.s32 $0x0;
	s20 =	sshll.u32 s5, $0x1;
	s5 =	sadd.s32 s21, s3  }
0x9d: {  	[timem:s7], [sflag:s22] =	dma.local [hbm:s5], s20  }
0x9e: {  	_ =	swait.ge [sflag:s22], s20  }
0x9f: {  	s4 =	ssub.s32 $0x0, s20;
	[sflag:s22] =	ssyncset.done $0x0  }
0xa0: {  	[sflag:s22] =	ssyncadd.s32 s4;
	_ =	sdelay $0x1  }
0xa1: {  	s23 =	simm.s32 $0x1B8B  }
0xa2: {  	_ =	swait.ge [sflag:s23], $0x1  }
0xa3: {  	[sflag:s23] =	ssyncset.done $0x0  }
0xa4: {  	s25 =	simm.s32 $0x1B8E;
	s24 =	sld [smem:$0x3FFE];
	[sflag:s23] =	ssyncadd.s32 $0xFFFFFFFF  }
0xa5: {  	s26 =	simm.s32 $execute0_lowered;
	[smem:$0x3FD2] =	sst s25  }
0xa6: {  	s5 =	sshll.u32 s26, $0x1;
	_ =	strace $0x80000046;
	[dreg:$0x1] =	wrdreg $0xFFFFFFFF  }
0xa7: {  	s28 =	simm.s32 $_size_execute0_lowered;
	s3 =	sadd.s32 s3, s5;
	[dreg:$0x0] =	wrdreg $0x0  }
0xa8: {  	s5 =	sshll.u32 s28, $0x1;
	[dreg:$0x2] =	wrdreg s3  }
0xa9: {  	[dreg:$0x3] =	wrdreg s5  }
0xaa: {  	[dreg:$0x4] =	wrdreg $0xC0  }
0xab: {  	_ =	task [dreg:s7], $0x5FFFF  }
0xac: {  	[dreg:$0x1] =	wrdreg $0xFFFFFFFF  }
0xad: {  	[dreg:$0x0] =	wrdreg $0x60  }
0xae: {  	[dreg:$0x2] =	wrdreg s2  }
0xaf: {  	[dreg:$0x3] =	wrdreg s24  }
0xb0: {  	[dreg:$0x4] =	wrdreg $0x9  }
0xb1: {  	_ =	task.clear_ibuf [dreg:s7], $0x5FFFF;
	_ =	strace $0x90000046  }
0xb2: {  	s29 =	simm.s32 $0x9;
	_ =	strace $0x80000048  }
0xb3: {  	_ =	swait.ge [sflag:s29], $0x1  }
0xb4: {  	[sflag:s29] =	ssyncadd.s32 $0xFFFFFFFF  }
0xb5: {  	_ =	strace $0x90000048  }
0xb6: {  	_ =	sfence  }
0xb7: {  	s30 =	sld [smem:$0x0];
	_ =	sdelay $0x2  }
0xb8: {  	s31 =	sshll.u32 s1, $0xD;
	s1 =	sshrl.u32 s1, $0x2  }
0xb9: {  	s3 =	sand.u32 $0x4000, s31;
	s1 =	sadd.s32 s1, s30  }
0xba: {  	s0 =	sor.u32 s3, s0;
	s1 =	sshll.u32 s1, $0x11  }
0xbb: {  	s0 =	sor.u32 s1, s0  }
0xbc: {  	s0 =	sadd.s32 $0x8F2B, s0  }
0xbd: {  	[sflag:s0] =	ssyncadd.remote.s32 $0x1  }
0xbe: {  	_ =	sfence.sel $0xFFFF  }
0xbf: {  	[dreg:$0x0] =	wrdreg $0xFFFFFFFF;
	(pc) =	sbr.abs _section_cstart, $3  }
0xc0: {  	[dreg:$0x1] =	wrdreg $0xFFFFFFFF  }
0xc1: {  	_ =	task.clear_ibuf [dreg:s7], $0x2FFFF;
	_ =	strace $0x9FFFFFFF  }
0xc2: {  	(tm) =	ssettm $0x7FFFFFFF  }
0xc3: {  	_ =	shalt  }
tec
execute0_lowered:
.L_overlay_start_1:
0x0: {  	(tag) =	ssettag $0x1  }
0x1: {  	s2 =	rddreg [dreg:$0x0]  }
0x2: {  	s6 =	rddreg [dreg:$0x1]  }
0x3: {  	s0 =	rddreg [dreg:$0x2];
	s1 =	stileid.u32  }
0x4: {  	s5 =	srdreg.scid;
	s4 =	smul.u32 $0x7C000, s1  }
0x5: {  	s3 =	simm.s32 $0x0;
	s5 =	sand.u32 $0x1, s5;
	s7 =	smul.u32 $0x7C00, s1  }
0x6: {  	[smem:$0x7FF] =	sst s3;
	s8 =	ssub.s32 $0x2, s5;
	s9 =	smul.u32 $0x3E00, s5  }
0x7: {  	_ =	strace $0x80000047;
	s5 =	smul.u32 $0x3E000, s5;
	s10 =	sshrl.u32 s8, $0x1  }
0x8: {  	s11 =	sadd.s32 s4, s6;
	s31 =	ssub.s32 s8, s10;
	s7 =	sadd.s32 s9, s7  }
0x9: {  	s5 =	sadd.s32 s5, s11;
	s8 =	simm.s32 $0x200;
	s9 =	simm.s32 $0x1  }
0xa: {  	s10 =	simm.s32 $0x0;
	s4 =	smax.u32 s31, $0x1;
	s7 =	sshrl.u32 s7, $0x3  }
0xb: {  	s5 =	sadd.s32 $0xF800, s5;
	s6 =	sadd.s32 s7, s6;
	s7 =	simm.s32 $0x2  }
.LBB2_1:
0xc: {  	s11 =	sadd.s32 $0x0, s6  }
0xd: {  	[tilespmem:s3], [sflag:$0x2] =	stream.linear.gather [hbm4b:s11+s3], $0x200, $0x38;
	[tilespmem:$0x10200] =	vst v63  }
0xe: {  	_ =	swait.ge [sflag:s7], $0x200  }
0xf: {  	[sflag:s7] =	ssyncset.done $0x0  }
0x10: {  	[sflag:s7] =	ssyncadd.s32 $0xFFFFFE00  }
0x11: {  	[tilespmem:s8], [sflag:$0x1] =	stream.indirect.gather [hbm4b:s2+s8], $0x80, s3, s8, $0xb8;
	[tilespmem:$0x10200] =	vst v63  }
0x12: {  	_ =	swait.ge [sflag:s9], $0x10000  }
0x13: {  	[sflag:s9] =	ssyncset.done $0x0  }
0x14: {  	[sflag:s9] =	ssyncadd.s32 $0xFFFF0000  }
0x15: {  	[hbm4b:s5+s3] =	stream.linear.scatter [tilespmem:s8], [sflag:$0x2], $0x10000, $0x38;
	[tilespmem:$0x10200] =	vst v63  }
0x16: {  	s12 =	simm.s32 $0x40;
	_ =	swait.ge [sflag:s7], $0x10000  }
0x17: {  	s13 =	simm.s32 $0x80;
	s11 =	sadd.s32 $0x2000, s5;
	[sflag:s7] =	ssyncset.done $0x0  }
.LBB2_2:
0x18: {  	s14 =	sadd.s32 s12, s6  }
0x19: {  	[sflag:s7] =	ssyncadd.s32 $0xFFFF0000;
	s12 =	smov.u32 s13;
	s15 =	sadd.s32 $0x40, s13  }
0x1a: {  	[tilespmem:s3], [sflag:$0x2] =	stream.linear.gather [hbm4b:s14+s3], $0x200, $0x38;
	[tilespmem:$0x10200] =	vst v63  }
0x1b: {  	p0 =	sne.s32 s13, $0x780;
	_ =	swait.ge [sflag:s7], $0x200  }
0x1c: {  	[sflag:s7] =	ssyncset.done $0x0  }
0x1d: {  	[sflag:s7] =	ssyncadd.s32 $0xFFFFFE00  }
0x1e: {  	[tilespmem:s8], [sflag:$0x1] =	stream.indirect.gather [hbm4b:s2+s8], $0x80, s3, s8, $0xb8;
	[tilespmem:$0x10200] =	vst v63  }
0x1f: {  	_ =	swait.ge [sflag:s9], $0x10000  }
.Ltmp0:
0x20: {  	[sflag:s9] =	ssyncset.done $0x0;
	(pc) =	sbr.rel @p0 .LBB2_2-.Ltmp0, $4  }
0x21: {  	[sflag:s9] =	ssyncadd.s32 $0xFFFF0000  }
0x22: {  	[hbm4b:s11+s3] =	stream.linear.scatter [tilespmem:s8], [sflag:$0x2], $0x10000, $0x38;
	[tilespmem:$0x10200] =	vst v63  }
0x23: {  	_ =	swait.ge [sflag:s7], $0x10000  }
0x24: {  	s13 =	smov.u32 s15;
	s11 =	sadd.s32 $0x2000, s11;
	[sflag:s7] =	ssyncset.done $0x0  }
0x25: {  	s12 =	sadd.s32 s12, s6;
	[sflag:s7] =	ssyncadd.s32 $0xFFFF0000  }
0x26: {  	[tilespmem:s3], [sflag:$0x2] =	stream.linear.gather [hbm4b:s12+s3], $0x200, $0x38;
	[tilespmem:$0x10200] =	vst v63  }
0x27: {  	_ =	swait.ge [sflag:s7], $0x200  }
0x28: {  	[sflag:s7] =	ssyncset.done $0x0  }
0x29: {  	[sflag:s7] =	ssyncadd.s32 $0xFFFFFE00  }
0x2a: {  	[tilespmem:s8], [sflag:$0x1] =	stream.indirect.gather [hbm4b:s2+s8], $0x80, s3, s8, $0xb8;
	[tilespmem:$0x10200] =	vst v63  }
0x2b: {  	s10 =	sadd.s32 $0x1, s10;
	_ =	swait.ge [sflag:s9], $0x10000  }
0x2c: {  	p0 =	sne.s32 s10, s4;
	[sflag:s9] =	ssyncset.done $0x0  }
.Ltmp1:
0x2d: {  	[sflag:s9] =	ssyncadd.s32 $0xFFFF0000;
	(pc) =	sbr.rel @p0 .LBB2_1-.Ltmp1, $4  }
0x2e: {  	[hbm4b:s11+s3] =	stream.linear.scatter [tilespmem:s8], [sflag:$0x2], $0x10000, $0x38;
	[tilespmem:$0x10200] =	vst v63  }
0x2f: {  	_ =	swait.ge [sflag:s7], $0x10000  }
0x30: {  	[sflag:s7] =	ssyncset.done $0x0  }
0x31: {  	[sflag:s7] =	ssyncadd.s32 $0xFFFF0000  }
0x32: {  	_ =	sfence.sel $0x180000  }
0x33: {  	[bflag:$0x0] =	sbarrier.arrive $0xFFFF  }
0x34: {  	p0 =	sne.s32 s1, $0x0;
	_ =	strace $0x90000047  }
0x35: {  	s0 =	sadd.s32 @!p0 $0x100000, s0;
	[bflag:$0x2] =	sbarrier.arrive $0xFFFF  }
0x36: {  	[sflag:s0] =	ssyncadd.tile.s32 @!p0 $0x1;
	_ =	shalt  }
.Lfunc_end2:
_tile_overlayer_lowered:
.L_overlay_start_2:
0x37: {  	(tag) =	ssettag $0x2  }
0x38: {  	s0 =	rddreg [dreg:$0x0];
	s2 =	stileid.u32  }
0x39: {  	s1 =	rddreg [dreg:$0x1];
	p0 =	sne.s32 s2, $0x0  }
0x3a: {  	s3 =	rddreg [dreg:$0x2];
	[bflag:$0x3] =	sbarrier.arrive $0xFFFF;
	s2 =	simm.s32 @!p0 $0x1C02  }
0x3b: {  	[timem:s3], [sflag:s2] =	dma.local @!p0 [hbm:s0], s1  }
0x3c: {  	s0 =	simm.s32 @!p0 $0x2  }
0x3d: {  	_ =	swait.ge @!p0 [sflag:s0], s1  }
0x3e: {  	s1 =	ssub.s32 @!p0 $0x0, s1;
	[sflag:s0] =	ssyncset.done @!p0 $0x0  }
0x3f: {  	[sflag:s0] =	ssyncadd.s32 @!p0 s1  }
0x40: {  	[bflag:$0x3] =	sbarrier.arrive $0xFFFF  }
0x41: {  	_ =	shalt  }

</sc_bundles>
